<compile_context>
chip_gen: v7x
topology: tpu7x:2x2x1
jax: 0.10.2.dev20260603
libtpu: 0.0.44.dev20260713+nightly
codegen_flags: <defaults>
</compile_context>

<pallas_src>
import functools

import jax
import jax.numpy as jnp
from jax import lax
from jax.experimental import pallas as pl
from jax.experimental.pallas import tpu as pltpu
from jax.experimental.pallas import tpu_sc as plsc

N_NODES = 10000
N_EDGES = 320000
D_FEAT = 128
NUM_GRAPHS = 128
NUM_CLASSES = 10

NPAD = 10240
NC, NS = 2, 16
NW = NC * NS
WIN = 128
NWIN = 2528
WPT = NWIN // NW
EPAD = NWIN * WIN
RPT = NPAD // NS

_mesh = plsc.VectorSubcoreMesh(core_axis_name="c", subcore_axis_name="s")



def _deg_body(didx_hbm, ones_hbm, zeros_hbm, out_hbm, didx_v, ones_v, deg_sh):
    c = lax.axis_index("c")
    s = lax.axis_index("s")
    wid = c * NS + s
    pltpu.sync_copy(didx_hbm.at[wid], didx_v)
    pltpu.sync_copy(ones_hbm, ones_v)

    @pl.when(s == 0)
    def _():
        pltpu.sync_copy(zeros_hbm, deg_sh)

    plsc.subcore_barrier()

    def win(j, carry):
        pltpu.sync_copy(ones_v, deg_sh.at[didx_v.at[j]], add=True)
        return carry

    lax.fori_loop(0, WPT, win, 0)
    plsc.subcore_barrier()
    pltpu.sync_copy(deg_sh.at[pl.ds(s * RPT, RPT)],
                    out_hbm.at[c, pl.ds(s * RPT, RPT)])


_deg_call = pl.kernel(
    _deg_body,
    out_type=jax.ShapeDtypeStruct((NC, NPAD), jnp.float32),
    mesh=_mesh,
    scratch_types=[
        pltpu.VMEM((WPT, WIN), jnp.int32),
        pltpu.VMEM((WIN,), jnp.float32),
        pltpu.VMEM_SHARED((NPAD,), jnp.float32),
    ],
)


def _agg_body(table_hbm, sidx_hbm, didx_hbm, zeros_hbm, out_hbm,
              sidx_v, didx_v, rows_v, acc_sh, sem):
    c = lax.axis_index("c")
    s = lax.axis_index("s")
    wid = c * NS + s
    pltpu.sync_copy(sidx_hbm.at[wid], sidx_v)
    pltpu.sync_copy(didx_hbm.at[wid], didx_v)

    @pl.when(s == 0)
    def _():
        pltpu.sync_copy(zeros_hbm, acc_sh)

    plsc.subcore_barrier()

    def win(j, carry):
        pltpu.async_copy(table_hbm.at[sidx_v.at[j]], rows_v, sem).wait()
        pltpu.sync_copy(rows_v, acc_sh.at[didx_v.at[j]], add=True)
        return carry

    lax.fori_loop(0, WPT, win, 0)
    plsc.subcore_barrier()
    pltpu.sync_copy(acc_sh.at[pl.ds(s * RPT, RPT)],
                    out_hbm.at[c, pl.ds(s * RPT, RPT)])


def _make_agg(d):
    return pl.kernel(
        _agg_body,
        out_type=jax.ShapeDtypeStruct((NC, NPAD, d), jnp.float32),
        mesh=_mesh,
        compiler_params=pltpu.CompilerParams(use_tc_tiling_on_sc=False),
        scratch_types=[
            pltpu.VMEM((WPT, WIN), jnp.int32),
            pltpu.VMEM((WPT, WIN), jnp.int32),
            pltpu.VMEM((WIN, d), jnp.float32),
            pltpu.VMEM_SHARED((NPAD, d), jnp.float32),
            pltpu.SemaphoreType.DMA,
        ],
    )


_agg64 = _make_agg(64)
_agg32 = _make_agg(32)



def _tc1_body(x_ref, w1_ref, degp_ref, mask_ref, hs1_ref, dinv_ref):
    deg = degp_ref[0] + degp_ref[1] + 1.0
    dinv = lax.rsqrt(deg) * mask_ref[...]
    h = jnp.dot(x_ref[...], w1_ref[...], preferred_element_type=jnp.float32)
    hs1_ref[...] = h * dinv
    dinv_ref[...] = dinv


_tc1 = pl.pallas_call(
    _tc1_body,
    out_shape=(jax.ShapeDtypeStruct((NPAD, 64), jnp.float32),
               jax.ShapeDtypeStruct((NPAD, 1), jnp.float32)),
)


def _tc2_body(acc_ref, hs1_ref, dinv_ref, b1_ref, w2_ref, hs2_ref):
    t = acc_ref[0] + acc_ref[1] + hs1_ref[...]
    z1 = jnp.maximum(t * dinv_ref[...] + b1_ref[...], 0.0)
    hs2_ref[...] = jnp.dot(z1, w2_ref[...],
                           preferred_element_type=jnp.float32) * dinv_ref[...]


_tc2 = pl.pallas_call(
    _tc2_body,
    out_shape=jax.ShapeDtypeStruct((NPAD, 32), jnp.float32),
)


def _tc3_body(acc_ref, hs2_ref, dinv_ref, b2_ref, batch_ref, wc_ref, bc_ref,
              out_ref):
    z2 = jnp.maximum(
        (acc_ref[0] + acc_ref[1] + hs2_ref[...]) * dinv_ref[...] + b2_ref[...],
        0.0)
    gids = lax.broadcasted_iota(jnp.int32, (NUM_GRAPHS, NPAD), 0)
    onehot = jnp.where(gids == batch_ref[...], 1.0, 0.0)
    sums = jnp.dot(onehot, z2, preferred_element_type=jnp.float32)
    counts = jnp.sum(onehot, axis=1, keepdims=True)
    pooled = sums / jnp.maximum(counts, 1.0)
    logits = jnp.dot(pooled, wc_ref[...],
                     preferred_element_type=jnp.float32) + bc_ref[...]
    m = jnp.max(logits, axis=1, keepdims=True)
    lse = jnp.log(jnp.sum(jnp.exp(logits - m), axis=1, keepdims=True)) + m
    out_ref[...] = logits - lse


_tc3 = pl.pallas_call(
    _tc3_body,
    out_shape=jax.ShapeDtypeStruct((NUM_GRAPHS, NUM_CLASSES), jnp.float32),
)



@jax.jit
def kernel(x, edge_index, batch, W1, b1, W2, b2, Wc, bc):
    f32 = jnp.float32
    padn = EPAD - N_EDGES
    padrows = (N_NODES
               + jnp.arange(padn, dtype=jnp.int32) % (NPAD - N_NODES))
    src_p = jnp.concatenate([edge_index[0], padrows]).reshape(NW, WPT, WIN)
    dst_p = jnp.concatenate([edge_index[1], padrows]).reshape(NW, WPT, WIN)

    x_p = jnp.pad(x, ((0, NPAD - N_NODES), (0, 0)))
    batch_p = jnp.pad(batch, (0, NPAD - N_NODES),
                      constant_values=-1).reshape(1, NPAD)
    mask = (jnp.arange(NPAD) < N_NODES).astype(f32).reshape(NPAD, 1)
    zeros_nd = jnp.zeros((NPAD, 64), f32)
    zeros_1 = jnp.zeros((NPAD,), f32)
    ones_w = jnp.ones((WIN,), f32)

    degp = _deg_call(dst_p, ones_w, zeros_1)
    hs1, dinv = _tc1(x_p, W1, degp.reshape(NC, NPAD, 1), mask)
    acc1 = _agg64(hs1, src_p, dst_p, zeros_nd)
    hs2 = _tc2(acc1, hs1, dinv, b1.reshape(1, 64), W2)
    acc2 = _agg32(hs2, src_p, dst_p, zeros_nd[:, :32])
    return _tc3(acc2, hs2, dinv, b2.reshape(1, 32), batch_p, Wc,
                bc.reshape(1, NUM_CLASSES))

# --- scband reference (transcript-rebuilt; emitter-appended) ---
"""Pipeline reference for scband-gnnclassifier-33346126086712 (READ-ONLY COPY).

The authoritative reference and input builder live on the scoring server;
editing this copy changes nothing except your own understanding.
"""

import jax, jax.numpy as jnp
import numpy as np

N_NODES = 10000
N_EDGES = 320000
D_FEAT = 128
NUM_GRAPHS = 128
NUM_CLASSES = 10


def setup_inputs(seed: int = 0) -> dict:
    key = jax.random.key(seed)
    ks = jax.random.split(key, 10)
    x = jax.random.normal(ks[0], (N_NODES, D_FEAT), dtype=jnp.float32)
    edge_index = jax.random.randint(ks[1], (2, N_EDGES), 0, N_NODES, dtype=jnp.int32)
    batch = jnp.sort(jax.random.randint(ks[2], (N_NODES,), 0, NUM_GRAPHS, dtype=jnp.int32))
    W1 = jax.random.normal(ks[3], (D_FEAT, 64), dtype=jnp.float32) * (1.0 / np.sqrt(D_FEAT))
    b1 = jnp.zeros((64,), dtype=jnp.float32)
    W2 = jax.random.normal(ks[4], (64, 32), dtype=jnp.float32) * (1.0 / np.sqrt(64))
    b2 = jnp.zeros((32,), dtype=jnp.float32)
    Wc = jax.random.normal(ks[5], (32, NUM_CLASSES), dtype=jnp.float32) * (1.0 / np.sqrt(32))
    bc = jnp.zeros((NUM_CLASSES,), dtype=jnp.float32)
    return {"x": x, "edge_index": edge_index, "batch": batch,
            "W1": W1, "b1": b1, "W2": W2, "b2": b2, "Wc": Wc, "bc": bc}


def _gcn_conv(x, src, dst, W, b):
    N = x.shape[0]
    h = x @ W
    deg = jnp.zeros((N,), dtype=x.dtype).at[dst].add(1.0)
    dinv = jnp.where(deg > 0, 1.0 / jnp.sqrt(deg), 0.0)
    norm = dinv[src] * dinv[dst]
    msg = h[src] * norm[:, None]
    out = jax.ops.segment_sum(msg, dst, num_segments=N)
    return out + b


def reference(x, edge_index, batch, W1, b1, W2, b2, Wc, bc):
    N = x.shape[0]
    loop = jnp.arange(N, dtype=edge_index.dtype)
    src = jnp.concatenate([edge_index[0], loop])
    dst = jnp.concatenate([edge_index[1], loop])
    h = jax.nn.relu(_gcn_conv(x, src, dst, W1, b1))
    h = jax.nn.relu(_gcn_conv(h, src, dst, W2, b2))
    sums = jax.ops.segment_sum(h, batch, num_segments=NUM_GRAPHS)
    counts = jax.ops.segment_sum(jnp.ones((N, 1), dtype=h.dtype), batch, num_segments=NUM_GRAPHS)
    pooled = sums / jnp.maximum(counts, 1.0)
    logits = pooled @ Wc + bc
    return jax.nn.log_softmax(logits, axis=1)

if __name__ == "__main__":
    import jax
    _d = setup_inputs()
    print(jax.jit(kernel)(*tuple(_d.values())))

</pallas_src>

<mosaic_0001>
#map = affine_map<(d0, d1) -> (0, 0)>
#map1 = affine_map<(d0, d1) -> (0, 0, 0)>
module attributes {stable_mosaic.version = 14 : i64} {
  func.func @_agg_body(%arg0: i32, %arg1: i32, %arg2: memref<10240x32xf32, #tpu.memory_space<hbm>>, %arg3: memref<32x79x128xi32, #tpu.memory_space<hbm>>, %arg4: memref<32x79x128xi32, #tpu.memory_space<hbm>>, %arg5: memref<10240x32xf32, #tpu.memory_space<hbm>>, %arg6: memref<2x10240x32xf32, #tpu.memory_space<hbm>>, %arg7: memref<79x128xi32, #tpu.memory_space<vmem>>, %arg8: memref<79x128xi32, #tpu.memory_space<vmem>>, %arg9: memref<128x32xf32, #tpu.memory_space<vmem>>, %arg10: memref<10240x32xf32, #tpu.memory_space<vmem_shared>>, %arg11: memref<!tpu.dma_semaphore, #tpu.memory_space<semaphore_mem>>) attributes {dimension_semantics = [#tpu.dimension_semantics<core_parallel>, #tpu.dimension_semantics<subcore_parallel>], iteration_bounds = array<i64: 2, 16>, scalar_prefetch = 0 : i64, scratch_operands = 5 : i64, tpu.core_type = #tpu.core_type<sc_vector_subcore>, window_params = [{transform_indices = #map}, {transform_indices = #map1}, {transform_indices = #map1}, {transform_indices = #map}, {transform_indices = #map1}]} {
    %mul3A = arith.constant 16 : i32
    %mul3A_0 = arith.muli %arg0, %mul3A : i32
    %add3A = arith.addi %mul3A_0, %arg1 : i32
    "tpu.region"() ({
      %run_scoped3A = tpu.sem_alloc : memref<!tpu.dma_semaphore, #tpu.memory_space<semaphore_mem>>
      %dma_start3A = arith.constant 0 : i32
      %dma_start3A_13 = arith.constant 0 : i32
      %dma_start3A_14 = tpu.memref_slice %arg3[%add3A, %dma_start3A, %dma_start3A_13] : memref<32x79x128xi32, #tpu.memory_space<hbm>> -> memref<1x79x128xi32, #tpu.memory_space<hbm>>
      %dma_start3A_15 = tpu.memref_squeeze %dma_start3A_14 : memref<1x79x128xi32, #tpu.memory_space<hbm>> -> memref<79x128xi32, #tpu.memory_space<hbm>>
      %dma_start3A_16 = arith.constant 0 : i32
      %dma_start3A_17 = arith.constant 0 : i32
      %dma_start3A_18 = tpu.memref_slice %arg3[%add3A, %dma_start3A_16, %dma_start3A_17] : memref<32x79x128xi32, #tpu.memory_space<hbm>> -> memref<1x79x128xi32, #tpu.memory_space<hbm>>
      %dma_start3A_19 = tpu.memref_squeeze %dma_start3A_18 : memref<1x79x128xi32, #tpu.memory_space<hbm>> -> memref<79x128xi32, #tpu.memory_space<hbm>>
      tpu.enqueue_dma source(%dma_start3A_19 : memref<79x128xi32, #tpu.memory_space<hbm>>) target(%arg7 : memref<79x128xi32, #tpu.memory_space<vmem>>) target_semaphore(%run_scoped3A : memref<!tpu.dma_semaphore, #tpu.memory_space<semaphore_mem>>)
      %dma_wait3A = arith.constant 0 : i32
      %dma_wait3A_20 = arith.constant 0 : i32
      %dma_wait3A_21 = tpu.memref_slice %arg3[%add3A, %dma_wait3A, %dma_wait3A_20] : memref<32x79x128xi32, #tpu.memory_space<hbm>> -> memref<1x79x128xi32, #tpu.memory_space<hbm>>
      %dma_wait3A_22 = tpu.memref_squeeze %dma_wait3A_21 : memref<1x79x128xi32, #tpu.memory_space<hbm>> -> memref<79x128xi32, #tpu.memory_space<hbm>>
      %dma_wait3A_23 = arith.constant 0 : i32
      %dma_wait3A_24 = arith.constant 0 : i32
      %dma_wait3A_25 = tpu.memref_slice %arg3[%add3A, %dma_wait3A_23, %dma_wait3A_24] : memref<32x79x128xi32, #tpu.memory_space<hbm>> -> memref<1x79x128xi32, #tpu.memory_space<hbm>>
      %dma_wait3A_26 = tpu.memref_squeeze %dma_wait3A_25 : memref<1x79x128xi32, #tpu.memory_space<hbm>> -> memref<79x128xi32, #tpu.memory_space<hbm>>
      tpu.wait_dma2 semaphore(%run_scoped3A : memref<!tpu.dma_semaphore, #tpu.memory_space<semaphore_mem>>) src(%dma_wait3A_26 : memref<79x128xi32, #tpu.memory_space<hbm>>) dst(%arg7 : memref<79x128xi32, #tpu.memory_space<vmem>>)
      tpu.yield
    }) : () -> ()
    "tpu.region"() ({
      %run_scoped3A = tpu.sem_alloc : memref<!tpu.dma_semaphore, #tpu.memory_space<semaphore_mem>>
      %dma_start3A = arith.constant 0 : i32
      %dma_start3A_13 = arith.constant 0 : i32
      %dma_start3A_14 = tpu.memref_slice %arg4[%add3A, %dma_start3A, %dma_start3A_13] : memref<32x79x128xi32, #tpu.memory_space<hbm>> -> memref<1x79x128xi32, #tpu.memory_space<hbm>>
      %dma_start3A_15 = tpu.memref_squeeze %dma_start3A_14 : memref<1x79x128xi32, #tpu.memory_space<hbm>> -> memref<79x128xi32, #tpu.memory_space<hbm>>
      %dma_start3A_16 = arith.constant 0 : i32
      %dma_start3A_17 = arith.constant 0 : i32
      %dma_start3A_18 = tpu.memref_slice %arg4[%add3A, %dma_start3A_16, %dma_start3A_17] : memref<32x79x128xi32, #tpu.memory_space<hbm>> -> memref<1x79x128xi32, #tpu.memory_space<hbm>>
      %dma_start3A_19 = tpu.memref_squeeze %dma_start3A_18 : memref<1x79x128xi32, #tpu.memory_space<hbm>> -> memref<79x128xi32, #tpu.memory_space<hbm>>
      tpu.enqueue_dma source(%dma_start3A_19 : memref<79x128xi32, #tpu.memory_space<hbm>>) target(%arg8 : memref<79x128xi32, #tpu.memory_space<vmem>>) target_semaphore(%run_scoped3A : memref<!tpu.dma_semaphore, #tpu.memory_space<semaphore_mem>>)
      %dma_wait3A = arith.constant 0 : i32
      %dma_wait3A_20 = arith.constant 0 : i32
      %dma_wait3A_21 = tpu.memref_slice %arg4[%add3A, %dma_wait3A, %dma_wait3A_20] : memref<32x79x128xi32, #tpu.memory_space<hbm>> -> memref<1x79x128xi32, #tpu.memory_space<hbm>>
      %dma_wait3A_22 = tpu.memref_squeeze %dma_wait3A_21 : memref<1x79x128xi32, #tpu.memory_space<hbm>> -> memref<79x128xi32, #tpu.memory_space<hbm>>
      %dma_wait3A_23 = arith.constant 0 : i32
      %dma_wait3A_24 = arith.constant 0 : i32
      %dma_wait3A_25 = tpu.memref_slice %arg4[%add3A, %dma_wait3A_23, %dma_wait3A_24] : memref<32x79x128xi32, #tpu.memory_space<hbm>> -> memref<1x79x128xi32, #tpu.memory_space<hbm>>
      %dma_wait3A_26 = tpu.memref_squeeze %dma_wait3A_25 : memref<1x79x128xi32, #tpu.memory_space<hbm>> -> memref<79x128xi32, #tpu.memory_space<hbm>>
      tpu.wait_dma2 semaphore(%run_scoped3A : memref<!tpu.dma_semaphore, #tpu.memory_space<semaphore_mem>>) src(%dma_wait3A_26 : memref<79x128xi32, #tpu.memory_space<hbm>>) dst(%arg8 : memref<79x128xi32, #tpu.memory_space<vmem>>)
      tpu.yield
    }) : () -> ()
    %eq3A = arith.constant 0 : i32
    %eq3A_1 = arith.cmpi eq, %arg1, %eq3A : i32
    %convert_element_type3A = arith.extui %eq3A_1 : i1 to i32
    %cond3A = arith.constant 0 : i32
    %cond3A_2 = arith.cmpi ne, %convert_element_type3A, %cond3A : i32
    scf.if %cond3A_2 {
      "tpu.region"() ({
        %run_scoped3A = tpu.sem_alloc : memref<!tpu.dma_semaphore, #tpu.memory_space<semaphore_mem>>
        tpu.enqueue_dma source(%arg5 : memref<10240x32xf32, #tpu.memory_space<hbm>>) target(%arg10 : memref<10240x32xf32, #tpu.memory_space<vmem_shared>>) target_semaphore(%run_scoped3A : memref<!tpu.dma_semaphore, #tpu.memory_space<semaphore_mem>>)
        tpu.wait_dma2 semaphore(%run_scoped3A : memref<!tpu.dma_semaphore, #tpu.memory_space<semaphore_mem>>) src(%arg5 : memref<10240x32xf32, #tpu.memory_space<hbm>>) dst(%arg10 : memref<10240x32xf32, #tpu.memory_space<vmem_shared>>)
        tpu.yield
      }) : () -> ()
    } else {
    }
    %barrier3A = arith.constant 0 : index
    tpu.barrier barrier_id(%barrier3A)
    %scan3A = arith.constant 0 : i32
    %scan3A_3 = arith.constant 0 : i32
    %scan3A_4 = arith.constant 79 : i32
    %scan3A_5 = arith.addi %scan3A_3, %scan3A_4 : i32
    %scan3A_6 = arith.constant 1 : i32
    scf.for %scan3A_13 = %scan3A_3 to %scan3A_5 step %scan3A_6  : i32 {
      %dma_start3A = arith.constant 0 : i32
      %dma_start3A_14 = tpu.memref_slice %arg7[%scan3A_13, %dma_start3A] : memref<79x128xi32, #tpu.memory_space<vmem>> -> memref<1x128xi32, #tpu.memory_space<vmem>>
      %dma_start3A_15 = tpu.memref_squeeze %dma_start3A_14 : memref<1x128xi32, #tpu.memory_space<vmem>> -> memref<128xi32, #tpu.memory_space<vmem>>
      %dma_start3A_16 = arith.constant 0 : i32
      %dma_start3A_17 = arith.constant 0 : i32
      %dma_start3A_18 = tpu.memref_slice %arg2[%dma_start3A_16, %dma_start3A_17] : memref<10240x32xf32, #tpu.memory_space<hbm>> -> memref<10240x32xf32, #tpu.memory_space<hbm>>
      tpu.enqueue_indirect_dma source(%dma_start3A_18 : memref<10240x32xf32, #tpu.memory_space<hbm>>) target(%arg9 : memref<128x32xf32, #tpu.memory_space<vmem>>) offsets(%dma_start3A_15 : memref<128xi32, #tpu.memory_space<vmem>>) semaphore(%arg11 : memref<!tpu.dma_semaphore, #tpu.memory_space<semaphore_mem>>)
      %dma_wait3A = arith.constant 0 : i32
      %dma_wait3A_19 = tpu.memref_slice %arg7[%scan3A_13, %dma_wait3A] : memref<79x128xi32, #tpu.memory_space<vmem>> -> memref<1x128xi32, #tpu.memory_space<vmem>>
      %dma_wait3A_20 = tpu.memref_squeeze %dma_wait3A_19 : memref<1x128xi32, #tpu.memory_space<vmem>> -> memref<128xi32, #tpu.memory_space<vmem>>
      %dma_wait3A_21 = arith.constant 0 : i32
      %dma_wait3A_22 = arith.constant 0 : i32
      %dma_wait3A_23 = tpu.memref_slice %arg2[%dma_wait3A_21, %dma_wait3A_22] : memref<10240x32xf32, #tpu.memory_space<hbm>> -> memref<10240x32xf32, #tpu.memory_space<hbm>>
      tpu.wait_indirect_dma semaphore(%arg11 : memref<!tpu.dma_semaphore, #tpu.memory_space<semaphore_mem>>) src(%dma_wait3A_23 : memref<10240x32xf32, #tpu.memory_space<hbm>>) dst(%arg9 : memref<128x32xf32, #tpu.memory_space<vmem>>)
      "tpu.region"() ({
        %run_scoped3A = tpu.sem_alloc : memref<!tpu.dma_semaphore, #tpu.memory_space<semaphore_mem>>
        %dma_start3A_24 = arith.constant 0 : i32
        %dma_start3A_25 = tpu.memref_slice %arg8[%scan3A_13, %dma_start3A_24] : memref<79x128xi32, #tpu.memory_space<vmem>> -> memref<1x128xi32, #tpu.memory_space<vmem>>
        %dma_start3A_26 = tpu.memref_squeeze %dma_start3A_25 : memref<1x128xi32, #tpu.memory_space<vmem>> -> memref<128xi32, #tpu.memory_space<vmem>>
        %dma_start3A_27 = arith.constant 0 : i32
        %dma_start3A_28 = arith.constant 0 : i32
        %dma_start3A_29 = tpu.memref_slice %arg10[%dma_start3A_27, %dma_start3A_28] : memref<10240x32xf32, #tpu.memory_space<vmem_shared>> -> memref<10240x32xf32, #tpu.memory_space<vmem_shared>>
        tpu.enqueue_indirect_dma source(%arg9 : memref<128x32xf32, #tpu.memory_space<vmem>>) target(%dma_start3A_29 : memref<10240x32xf32, #tpu.memory_space<vmem_shared>>) offsets(%dma_start3A_26 : memref<128xi32, #tpu.memory_space<vmem>>) semaphore(%run_scoped3A : memref<!tpu.dma_semaphore, #tpu.memory_space<semaphore_mem>>) {add = true}
        %dma_wait3A_30 = arith.constant 0 : i32
        %dma_wait3A_31 = tpu.memref_slice %arg8[%scan3A_13, %dma_wait3A_30] : memref<79x128xi32, #tpu.memory_space<vmem>> -> memref<1x128xi32, #tpu.memory_space<vmem>>
        %dma_wait3A_32 = tpu.memref_squeeze %dma_wait3A_31 : memref<1x128xi32, #tpu.memory_space<vmem>> -> memref<128xi32, #tpu.memory_space<vmem>>
        %dma_wait3A_33 = arith.constant 0 : i32
        %dma_wait3A_34 = arith.constant 0 : i32
        %dma_wait3A_35 = tpu.memref_slice %arg10[%dma_wait3A_33, %dma_wait3A_34] : memref<10240x32xf32, #tpu.memory_space<vmem_shared>> -> memref<10240x32xf32, #tpu.memory_space<vmem_shared>>
        tpu.wait_indirect_dma semaphore(%run_scoped3A : memref<!tpu.dma_semaphore, #tpu.memory_space<semaphore_mem>>) src(%arg9 : memref<128x32xf32, #tpu.memory_space<vmem>>) dst(%dma_wait3A_35 : memref<10240x32xf32, #tpu.memory_space<vmem_shared>>)
        tpu.yield
      }) : () -> ()
    }
    %scan3A_7 = arith.constant 79 : i32
    %barrier3A_8 = arith.constant 0 : index
    tpu.barrier barrier_id(%barrier3A_8)
    %mul3A_9 = arith.constant 640 : i32
    %mul3A_10 = arith.muli %arg1, %mul3A_9 : i32
    %mul3A_11 = arith.constant 640 : i32
    %mul3A_12 = arith.muli %arg1, %mul3A_11 : i32
    "tpu.region"() ({
      %run_scoped3A = tpu.sem_alloc : memref<!tpu.dma_semaphore, #tpu.memory_space<semaphore_mem>>
      %dma_start3A = arith.constant 0 : i32
      %dma_start3A_13 = tpu.memref_slice %arg6[%arg0, %mul3A_12, %dma_start3A] : memref<2x10240x32xf32, #tpu.memory_space<hbm>> -> memref<1x640x32xf32, #tpu.memory_space<hbm>>
      %dma_start3A_14 = tpu.memref_squeeze %dma_start3A_13 : memref<1x640x32xf32, #tpu.memory_space<hbm>> -> memref<640x32xf32, #tpu.memory_space<hbm>>
      %dma_start3A_15 = arith.constant 0 : i32
      %dma_start3A_16 = tpu.memref_slice %arg10[%mul3A_10, %dma_start3A_15] : memref<10240x32xf32, #tpu.memory_space<vmem_shared>> -> memref<640x32xf32, #tpu.memory_space<vmem_shared>>
      tpu.enqueue_dma source(%dma_start3A_16 : memref<640x32xf32, #tpu.memory_space<vmem_shared>>) target(%dma_start3A_14 : memref<640x32xf32, #tpu.memory_space<hbm>>) target_semaphore(%run_scoped3A : memref<!tpu.dma_semaphore, #tpu.memory_space<semaphore_mem>>)
      %dma_wait3A = arith.constant 0 : i32
      %dma_wait3A_17 = tpu.memref_slice %arg6[%arg0, %mul3A_12, %dma_wait3A] : memref<2x10240x32xf32, #tpu.memory_space<hbm>> -> memref<1x640x32xf32, #tpu.memory_space<hbm>>
      %dma_wait3A_18 = tpu.memref_squeeze %dma_wait3A_17 : memref<1x640x32xf32, #tpu.memory_space<hbm>> -> memref<640x32xf32, #tpu.memory_space<hbm>>
      %dma_wait3A_19 = arith.constant 0 : i32
      %dma_wait3A_20 = tpu.memref_slice %arg10[%mul3A_10, %dma_wait3A_19] : memref<10240x32xf32, #tpu.memory_space<vmem_shared>> -> memref<640x32xf32, #tpu.memory_space<vmem_shared>>
      tpu.wait_dma2 semaphore(%run_scoped3A : memref<!tpu.dma_semaphore, #tpu.memory_space<semaphore_mem>>) src(%dma_wait3A_20 : memref<640x32xf32, #tpu.memory_space<vmem_shared>>) dst(%dma_wait3A_18 : memref<640x32xf32, #tpu.memory_space<hbm>>)
      tpu.yield
    }) : () -> ()
    return
  }
}

#map = affine_map<(d0, d1) -> (0, 0, 0)>
#map1 = affine_map<(d0, d1) -> (0)>
#map2 = affine_map<(d0, d1) -> (0, 0)>
module attributes {stable_mosaic.version = 14 : i64} {
  func.func @_deg_body(%arg0: i32, %arg1: i32, %arg2: memref<32x79x128xi32, #tpu.memory_space<hbm>>, %arg3: memref<128xf32, #tpu.memory_space<hbm>>, %arg4: memref<10240xf32, #tpu.memory_space<hbm>>, %arg5: memref<2x10240xf32, #tpu.memory_space<hbm>>, %arg6: memref<79x128xi32, #tpu.memory_space<vmem>>, %arg7: memref<128xf32, #tpu.memory_space<vmem>>, %arg8: memref<10240xf32, #tpu.memory_space<vmem_shared>>) attributes {dimension_semantics = [#tpu.dimension_semantics<core_parallel>, #tpu.dimension_semantics<subcore_parallel>], iteration_bounds = array<i64: 2, 16>, scalar_prefetch = 0 : i64, scratch_operands = 3 : i64, tpu.core_type = #tpu.core_type<sc_vector_subcore>, window_params = [{transform_indices = #map}, {transform_indices = #map1}, {transform_indices = #map1}, {transform_indices = #map2}]} {
    %mul3A = arith.constant 16 : i32
    %mul3A_0 = arith.muli %arg0, %mul3A : i32
    %add3A = arith.addi %mul3A_0, %arg1 : i32
    "tpu.region"() ({
      %run_scoped3A = tpu.sem_alloc : memref<!tpu.dma_semaphore, #tpu.memory_space<semaphore_mem>>
      %dma_start3A = arith.constant 0 : i32
      %dma_start3A_13 = arith.constant 0 : i32
      %dma_start3A_14 = tpu.memref_slice %arg2[%add3A, %dma_start3A, %dma_start3A_13] : memref<32x79x128xi32, #tpu.memory_space<hbm>> -> memref<1x79x128xi32, #tpu.memory_space<hbm>>
      %dma_start3A_15 = tpu.memref_squeeze %dma_start3A_14 : memref<1x79x128xi32, #tpu.memory_space<hbm>> -> memref<79x128xi32, #tpu.memory_space<hbm>>
      %dma_start3A_16 = arith.constant 0 : i32
      %dma_start3A_17 = arith.constant 0 : i32
      %dma_start3A_18 = tpu.memref_slice %arg2[%add3A, %dma_start3A_16, %dma_start3A_17] : memref<32x79x128xi32, #tpu.memory_space<hbm>> -> memref<1x79x128xi32, #tpu.memory_space<hbm>>
      %dma_start3A_19 = tpu.memref_squeeze %dma_start3A_18 : memref<1x79x128xi32, #tpu.memory_space<hbm>> -> memref<79x128xi32, #tpu.memory_space<hbm>>
      tpu.enqueue_dma source(%dma_start3A_19 : memref<79x128xi32, #tpu.memory_space<hbm>>) target(%arg6 : memref<79x128xi32, #tpu.memory_space<vmem>>) target_semaphore(%run_scoped3A : memref<!tpu.dma_semaphore, #tpu.memory_space<semaphore_mem>>)
      %dma_wait3A = arith.constant 0 : i32
      %dma_wait3A_20 = arith.constant 0 : i32
      %dma_wait3A_21 = tpu.memref_slice %arg2[%add3A, %dma_wait3A, %dma_wait3A_20] : memref<32x79x128xi32, #tpu.memory_space<hbm>> -> memref<1x79x128xi32, #tpu.memory_space<hbm>>
      %dma_wait3A_22 = tpu.memref_squeeze %dma_wait3A_21 : memref<1x79x128xi32, #tpu.memory_space<hbm>> -> memref<79x128xi32, #tpu.memory_space<hbm>>
      %dma_wait3A_23 = arith.constant 0 : i32
      %dma_wait3A_24 = arith.constant 0 : i32
      %dma_wait3A_25 = tpu.memref_slice %arg2[%add3A, %dma_wait3A_23, %dma_wait3A_24] : memref<32x79x128xi32, #tpu.memory_space<hbm>> -> memref<1x79x128xi32, #tpu.memory_space<hbm>>
      %dma_wait3A_26 = tpu.memref_squeeze %dma_wait3A_25 : memref<1x79x128xi32, #tpu.memory_space<hbm>> -> memref<79x128xi32, #tpu.memory_space<hbm>>
      tpu.wait_dma2 semaphore(%run_scoped3A : memref<!tpu.dma_semaphore, #tpu.memory_space<semaphore_mem>>) src(%dma_wait3A_26 : memref<79x128xi32, #tpu.memory_space<hbm>>) dst(%arg6 : memref<79x128xi32, #tpu.memory_space<vmem>>)
      tpu.yield
    }) : () -> ()
    "tpu.region"() ({
      %run_scoped3A = tpu.sem_alloc : memref<!tpu.dma_semaphore, #tpu.memory_space<semaphore_mem>>
      tpu.enqueue_dma source(%arg3 : memref<128xf32, #tpu.memory_space<hbm>>) target(%arg7 : memref<128xf32, #tpu.memory_space<vmem>>) target_semaphore(%run_scoped3A : memref<!tpu.dma_semaphore, #tpu.memory_space<semaphore_mem>>)
      tpu.wait_dma2 semaphore(%run_scoped3A : memref<!tpu.dma_semaphore, #tpu.memory_space<semaphore_mem>>) src(%arg3 : memref<128xf32, #tpu.memory_space<hbm>>) dst(%arg7 : memref<128xf32, #tpu.memory_space<vmem>>)
      tpu.yield
    }) : () -> ()
    %eq3A = arith.constant 0 : i32
    %eq3A_1 = arith.cmpi eq, %arg1, %eq3A : i32
    %convert_element_type3A = arith.extui %eq3A_1 : i1 to i32
    %cond3A = arith.constant 0 : i32
    %cond3A_2 = arith.cmpi ne, %convert_element_type3A, %cond3A : i32
    scf.if %cond3A_2 {
      "tpu.region"() ({
        %run_scoped3A = tpu.sem_alloc : memref<!tpu.dma_semaphore, #tpu.memory_space<semaphore_mem>>
        tpu.enqueue_dma source(%arg4 : memref<10240xf32, #tpu.memory_space<hbm>>) target(%arg8 : memref<10240xf32, #tpu.memory_space<vmem_shared>>) target_semaphore(%run_scoped3A : memref<!tpu.dma_semaphore, #tpu.memory_space<semaphore_mem>>)
        tpu.wait_dma2 semaphore(%run_scoped3A : memref<!tpu.dma_semaphore, #tpu.memory_space<semaphore_mem>>) src(%arg4 : memref<10240xf32, #tpu.memory_space<hbm>>) dst(%arg8 : memref<10240xf32, #tpu.memory_space<vmem_shared>>)
        tpu.yield
      }) : () -> ()
    } else {
    }
    %barrier3A = arith.constant 0 : index
    tpu.barrier barrier_id(%barrier3A)
    %scan3A = arith.constant 0 : i32
    %scan3A_3 = arith.constant 0 : i32
    %scan3A_4 = arith.constant 79 : i32
    %scan3A_5 = arith.addi %scan3A_3, %scan3A_4 : i32
    %scan3A_6 = arith.constant 1 : i32
    scf.for %scan3A_13 = %scan3A_3 to %scan3A_5 step %scan3A_6  : i32 {
      "tpu.region"() ({
        %run_scoped3A = tpu.sem_alloc : memref<!tpu.dma_semaphore, #tpu.memory_space<semaphore_mem>>
        %dma_start3A = arith.constant 0 : i32
        %dma_start3A_14 = tpu.memref_slice %arg6[%scan3A_13, %dma_start3A] : memref<79x128xi32, #tpu.memory_space<vmem>> -> memref<1x128xi32, #tpu.memory_space<vmem>>
        %dma_start3A_15 = tpu.memref_squeeze %dma_start3A_14 : memref<1x128xi32, #tpu.memory_space<vmem>> -> memref<128xi32, #tpu.memory_space<vmem>>
        %dma_start3A_16 = arith.constant 0 : i32
        %dma_start3A_17 = tpu.memref_slice %arg8[%dma_start3A_16] : memref<10240xf32, #tpu.memory_space<vmem_shared>> -> memref<10240xf32, #tpu.memory_space<vmem_shared>>
        tpu.enqueue_indirect_dma source(%arg7 : memref<128xf32, #tpu.memory_space<vmem>>) target(%dma_start3A_17 : memref<10240xf32, #tpu.memory_space<vmem_shared>>) offsets(%dma_start3A_15 : memref<128xi32, #tpu.memory_space<vmem>>) semaphore(%run_scoped3A : memref<!tpu.dma_semaphore, #tpu.memory_space<semaphore_mem>>) {add = true}
        %dma_wait3A = arith.constant 0 : i32
        %dma_wait3A_18 = tpu.memref_slice %arg6[%scan3A_13, %dma_wait3A] : memref<79x128xi32, #tpu.memory_space<vmem>> -> memref<1x128xi32, #tpu.memory_space<vmem>>
        %dma_wait3A_19 = tpu.memref_squeeze %dma_wait3A_18 : memref<1x128xi32, #tpu.memory_space<vmem>> -> memref<128xi32, #tpu.memory_space<vmem>>
        %dma_wait3A_20 = arith.constant 0 : i32
        %dma_wait3A_21 = tpu.memref_slice %arg8[%dma_wait3A_20] : memref<10240xf32, #tpu.memory_space<vmem_shared>> -> memref<10240xf32, #tpu.memory_space<vmem_shared>>
        tpu.wait_indirect_dma semaphore(%run_scoped3A : memref<!tpu.dma_semaphore, #tpu.memory_space<semaphore_mem>>) src(%arg7 : memref<128xf32, #tpu.memory_space<vmem>>) dst(%dma_wait3A_21 : memref<10240xf32, #tpu.memory_space<vmem_shared>>)
        tpu.yield
      }) : () -> ()
    }
    %scan3A_7 = arith.constant 79 : i32
    %barrier3A_8 = arith.constant 0 : index
    tpu.barrier barrier_id(%barrier3A_8)
    %mul3A_9 = arith.constant 640 : i32
    %mul3A_10 = arith.muli %arg1, %mul3A_9 : i32
    %mul3A_11 = arith.constant 640 : i32
    %mul3A_12 = arith.muli %arg1, %mul3A_11 : i32
    "tpu.region"() ({
      %run_scoped3A = tpu.sem_alloc : memref<!tpu.dma_semaphore, #tpu.memory_space<semaphore_mem>>
      %dma_start3A = tpu.memref_slice %arg5[%arg0, %mul3A_12] : memref<2x10240xf32, #tpu.memory_space<hbm>> -> memref<1x640xf32, #tpu.memory_space<hbm>>
      %dma_start3A_13 = tpu.memref_squeeze %dma_start3A : memref<1x640xf32, #tpu.memory_space<hbm>> -> memref<640xf32, #tpu.memory_space<hbm>>
      %dma_start3A_14 = tpu.memref_slice %arg8[%mul3A_10] : memref<10240xf32, #tpu.memory_space<vmem_shared>> -> memref<640xf32, #tpu.memory_space<vmem_shared>>
      tpu.enqueue_dma source(%dma_start3A_14 : memref<640xf32, #tpu.memory_space<vmem_shared>>) target(%dma_start3A_13 : memref<640xf32, #tpu.memory_space<hbm>>) target_semaphore(%run_scoped3A : memref<!tpu.dma_semaphore, #tpu.memory_space<semaphore_mem>>)
      %dma_wait3A = tpu.memref_slice %arg5[%arg0, %mul3A_12] : memref<2x10240xf32, #tpu.memory_space<hbm>> -> memref<1x640xf32, #tpu.memory_space<hbm>>
      %dma_wait3A_15 = tpu.memref_squeeze %dma_wait3A : memref<1x640xf32, #tpu.memory_space<hbm>> -> memref<640xf32, #tpu.memory_space<hbm>>
      %dma_wait3A_16 = tpu.memref_slice %arg8[%mul3A_10] : memref<10240xf32, #tpu.memory_space<vmem_shared>> -> memref<640xf32, #tpu.memory_space<vmem_shared>>
      tpu.wait_dma2 semaphore(%run_scoped3A : memref<!tpu.dma_semaphore, #tpu.memory_space<semaphore_mem>>) src(%dma_wait3A_16 : memref<640xf32, #tpu.memory_space<vmem_shared>>) dst(%dma_wait3A_15 : memref<640xf32, #tpu.memory_space<hbm>>)
      tpu.yield
    }) : () -> ()
    return
  }
}

#map = affine_map<(d0, d1) -> (0, 0)>
#map1 = affine_map<(d0, d1) -> (0, 0, 0)>
module attributes {stable_mosaic.version = 14 : i64} {
  func.func @_agg_body(%arg0: i32, %arg1: i32, %arg2: memref<10240x64xf32, #tpu.memory_space<hbm>>, %arg3: memref<32x79x128xi32, #tpu.memory_space<hbm>>, %arg4: memref<32x79x128xi32, #tpu.memory_space<hbm>>, %arg5: memref<10240x64xf32, #tpu.memory_space<hbm>>, %arg6: memref<2x10240x64xf32, #tpu.memory_space<hbm>>, %arg7: memref<79x128xi32, #tpu.memory_space<vmem>>, %arg8: memref<79x128xi32, #tpu.memory_space<vmem>>, %arg9: memref<128x64xf32, #tpu.memory_space<vmem>>, %arg10: memref<10240x64xf32, #tpu.memory_space<vmem_shared>>, %arg11: memref<!tpu.dma_semaphore, #tpu.memory_space<semaphore_mem>>) attributes {dimension_semantics = [#tpu.dimension_semantics<core_parallel>, #tpu.dimension_semantics<subcore_parallel>], iteration_bounds = array<i64: 2, 16>, scalar_prefetch = 0 : i64, scratch_operands = 5 : i64, tpu.core_type = #tpu.core_type<sc_vector_subcore>, window_params = [{transform_indices = #map}, {transform_indices = #map1}, {transform_indices = #map1}, {transform_indices = #map}, {transform_indices = #map1}]} {
    %mul3A = arith.constant 16 : i32
    %mul3A_0 = arith.muli %arg0, %mul3A : i32
    %add3A = arith.addi %mul3A_0, %arg1 : i32
    "tpu.region"() ({
      %run_scoped3A = tpu.sem_alloc : memref<!tpu.dma_semaphore, #tpu.memory_space<semaphore_mem>>
      %dma_start3A = arith.constant 0 : i32
      %dma_start3A_13 = arith.constant 0 : i32
      %dma_start3A_14 = tpu.memref_slice %arg3[%add3A, %dma_start3A, %dma_start3A_13] : memref<32x79x128xi32, #tpu.memory_space<hbm>> -> memref<1x79x128xi32, #tpu.memory_space<hbm>>
      %dma_start3A_15 = tpu.memref_squeeze %dma_start3A_14 : memref<1x79x128xi32, #tpu.memory_space<hbm>> -> memref<79x128xi32, #tpu.memory_space<hbm>>
      %dma_start3A_16 = arith.constant 0 : i32
      %dma_start3A_17 = arith.constant 0 : i32
      %dma_start3A_18 = tpu.memref_slice %arg3[%add3A, %dma_start3A_16, %dma_start3A_17] : memref<32x79x128xi32, #tpu.memory_space<hbm>> -> memref<1x79x128xi32, #tpu.memory_space<hbm>>
      %dma_start3A_19 = tpu.memref_squeeze %dma_start3A_18 : memref<1x79x128xi32, #tpu.memory_space<hbm>> -> memref<79x128xi32, #tpu.memory_space<hbm>>
      tpu.enqueue_dma source(%dma_start3A_19 : memref<79x128xi32, #tpu.memory_space<hbm>>) target(%arg7 : memref<79x128xi32, #tpu.memory_space<vmem>>) target_semaphore(%run_scoped3A : memref<!tpu.dma_semaphore, #tpu.memory_space<semaphore_mem>>)
      %dma_wait3A = arith.constant 0 : i32
      %dma_wait3A_20 = arith.constant 0 : i32
      %dma_wait3A_21 = tpu.memref_slice %arg3[%add3A, %dma_wait3A, %dma_wait3A_20] : memref<32x79x128xi32, #tpu.memory_space<hbm>> -> memref<1x79x128xi32, #tpu.memory_space<hbm>>
      %dma_wait3A_22 = tpu.memref_squeeze %dma_wait3A_21 : memref<1x79x128xi32, #tpu.memory_space<hbm>> -> memref<79x128xi32, #tpu.memory_space<hbm>>
      %dma_wait3A_23 = arith.constant 0 : i32
      %dma_wait3A_24 = arith.constant 0 : i32
      %dma_wait3A_25 = tpu.memref_slice %arg3[%add3A, %dma_wait3A_23, %dma_wait3A_24] : memref<32x79x128xi32, #tpu.memory_space<hbm>> -> memref<1x79x128xi32, #tpu.memory_space<hbm>>
      %dma_wait3A_26 = tpu.memref_squeeze %dma_wait3A_25 : memref<1x79x128xi32, #tpu.memory_space<hbm>> -> memref<79x128xi32, #tpu.memory_space<hbm>>
      tpu.wait_dma2 semaphore(%run_scoped3A : memref<!tpu.dma_semaphore, #tpu.memory_space<semaphore_mem>>) src(%dma_wait3A_26 : memref<79x128xi32, #tpu.memory_space<hbm>>) dst(%arg7 : memref<79x128xi32, #tpu.memory_space<vmem>>)
      tpu.yield
    }) : () -> ()
    "tpu.region"() ({
      %run_scoped3A = tpu.sem_alloc : memref<!tpu.dma_semaphore, #tpu.memory_space<semaphore_mem>>
      %dma_start3A = arith.constant 0 : i32
      %dma_start3A_13 = arith.constant 0 : i32
      %dma_start3A_14 = tpu.memref_slice %arg4[%add3A, %dma_start3A, %dma_start3A_13] : memref<32x79x128xi32, #tpu.memory_space<hbm>> -> memref<1x79x128xi32, #tpu.memory_space<hbm>>
      %dma_start3A_15 = tpu.memref_squeeze %dma_start3A_14 : memref<1x79x128xi32, #tpu.memory_space<hbm>> -> memref<79x128xi32, #tpu.memory_space<hbm>>
      %dma_start3A_16 = arith.constant 0 : i32
      %dma_start3A_17 = arith.constant 0 : i32
      %dma_start3A_18 = tpu.memref_slice %arg4[%add3A, %dma_start3A_16, %dma_start3A_17] : memref<32x79x128xi32, #tpu.memory_space<hbm>> -> memref<1x79x128xi32, #tpu.memory_space<hbm>>
      %dma_start3A_19 = tpu.memref_squeeze %dma_start3A_18 : memref<1x79x128xi32, #tpu.memory_space<hbm>> -> memref<79x128xi32, #tpu.memory_space<hbm>>
      tpu.enqueue_dma source(%dma_start3A_19 : memref<79x128xi32, #tpu.memory_space<hbm>>) target(%arg8 : memref<79x128xi32, #tpu.memory_space<vmem>>) target_semaphore(%run_scoped3A : memref<!tpu.dma_semaphore, #tpu.memory_space<semaphore_mem>>)
      %dma_wait3A = arith.constant 0 : i32
      %dma_wait3A_20 = arith.constant 0 : i32
      %dma_wait3A_21 = tpu.memref_slice %arg4[%add3A, %dma_wait3A, %dma_wait3A_20] : memref<32x79x128xi32, #tpu.memory_space<hbm>> -> memref<1x79x128xi32, #tpu.memory_space<hbm>>
      %dma_wait3A_22 = tpu.memref_squeeze %dma_wait3A_21 : memref<1x79x128xi32, #tpu.memory_space<hbm>> -> memref<79x128xi32, #tpu.memory_space<hbm>>
      %dma_wait3A_23 = arith.constant 0 : i32
      %dma_wait3A_24 = arith.constant 0 : i32
      %dma_wait3A_25 = tpu.memref_slice %arg4[%add3A, %dma_wait3A_23, %dma_wait3A_24] : memref<32x79x128xi32, #tpu.memory_space<hbm>> -> memref<1x79x128xi32, #tpu.memory_space<hbm>>
      %dma_wait3A_26 = tpu.memref_squeeze %dma_wait3A_25 : memref<1x79x128xi32, #tpu.memory_space<hbm>> -> memref<79x128xi32, #tpu.memory_space<hbm>>
      tpu.wait_dma2 semaphore(%run_scoped3A : memref<!tpu.dma_semaphore, #tpu.memory_space<semaphore_mem>>) src(%dma_wait3A_26 : memref<79x128xi32, #tpu.memory_space<hbm>>) dst(%arg8 : memref<79x128xi32, #tpu.memory_space<vmem>>)
      tpu.yield
    }) : () -> ()
    %eq3A = arith.constant 0 : i32
    %eq3A_1 = arith.cmpi eq, %arg1, %eq3A : i32
    %convert_element_type3A = arith.extui %eq3A_1 : i1 to i32
    %cond3A = arith.constant 0 : i32
    %cond3A_2 = arith.cmpi ne, %convert_element_type3A, %cond3A : i32
    scf.if %cond3A_2 {
      "tpu.region"() ({
        %run_scoped3A = tpu.sem_alloc : memref<!tpu.dma_semaphore, #tpu.memory_space<semaphore_mem>>
        tpu.enqueue_dma source(%arg5 : memref<10240x64xf32, #tpu.memory_space<hbm>>) target(%arg10 : memref<10240x64xf32, #tpu.memory_space<vmem_shared>>) target_semaphore(%run_scoped3A : memref<!tpu.dma_semaphore, #tpu.memory_space<semaphore_mem>>)
        tpu.wait_dma2 semaphore(%run_scoped3A : memref<!tpu.dma_semaphore, #tpu.memory_space<semaphore_mem>>) src(%arg5 : memref<10240x64xf32, #tpu.memory_space<hbm>>) dst(%arg10 : memref<10240x64xf32, #tpu.memory_space<vmem_shared>>)
        tpu.yield
      }) : () -> ()
    } else {
    }
    %barrier3A = arith.constant 0 : index
    tpu.barrier barrier_id(%barrier3A)
    %scan3A = arith.constant 0 : i32
    %scan3A_3 = arith.constant 0 : i32
    %scan3A_4 = arith.constant 79 : i32
    %scan3A_5 = arith.addi %scan3A_3, %scan3A_4 : i32
    %scan3A_6 = arith.constant 1 : i32
    scf.for %scan3A_13 = %scan3A_3 to %scan3A_5 step %scan3A_6  : i32 {
      %dma_start3A = arith.constant 0 : i32
      %dma_start3A_14 = tpu.memref_slice %arg7[%scan3A_13, %dma_start3A] : memref<79x128xi32, #tpu.memory_space<vmem>> -> memref<1x128xi32, #tpu.memory_space<vmem>>
      %dma_start3A_15 = tpu.memref_squeeze %dma_start3A_14 : memref<1x128xi32, #tpu.memory_space<vmem>> -> memref<128xi32, #tpu.memory_space<vmem>>
      %dma_start3A_16 = arith.constant 0 : i32
      %dma_start3A_17 = arith.constant 0 : i32
      %dma_start3A_18 = tpu.memref_slice %arg2[%dma_start3A_16, %dma_start3A_17] : memref<10240x64xf32, #tpu.memory_space<hbm>> -> memref<10240x64xf32, #tpu.memory_space<hbm>>
      tpu.enqueue_indirect_dma source(%dma_start3A_18 : memref<10240x64xf32, #tpu.memory_space<hbm>>) target(%arg9 : memref<128x64xf32, #tpu.memory_space<vmem>>) offsets(%dma_start3A_15 : memref<128xi32, #tpu.memory_space<vmem>>) semaphore(%arg11 : memref<!tpu.dma_semaphore, #tpu.memory_space<semaphore_mem>>)
      %dma_wait3A = arith.constant 0 : i32
      %dma_wait3A_19 = tpu.memref_slice %arg7[%scan3A_13, %dma_wait3A] : memref<79x128xi32, #tpu.memory_space<vmem>> -> memref<1x128xi32, #tpu.memory_space<vmem>>
      %dma_wait3A_20 = tpu.memref_squeeze %dma_wait3A_19 : memref<1x128xi32, #tpu.memory_space<vmem>> -> memref<128xi32, #tpu.memory_space<vmem>>
      %dma_wait3A_21 = arith.constant 0 : i32
      %dma_wait3A_22 = arith.constant 0 : i32
      %dma_wait3A_23 = tpu.memref_slice %arg2[%dma_wait3A_21, %dma_wait3A_22] : memref<10240x64xf32, #tpu.memory_space<hbm>> -> memref<10240x64xf32, #tpu.memory_space<hbm>>
      tpu.wait_indirect_dma semaphore(%arg11 : memref<!tpu.dma_semaphore, #tpu.memory_space<semaphore_mem>>) src(%dma_wait3A_23 : memref<10240x64xf32, #tpu.memory_space<hbm>>) dst(%arg9 : memref<128x64xf32, #tpu.memory_space<vmem>>)
      "tpu.region"() ({
        %run_scoped3A = tpu.sem_alloc : memref<!tpu.dma_semaphore, #tpu.memory_space<semaphore_mem>>
        %dma_start3A_24 = arith.constant 0 : i32
        %dma_start3A_25 = tpu.memref_slice %arg8[%scan3A_13, %dma_start3A_24] : memref<79x128xi32, #tpu.memory_space<vmem>> -> memref<1x128xi32, #tpu.memory_space<vmem>>
        %dma_start3A_26 = tpu.memref_squeeze %dma_start3A_25 : memref<1x128xi32, #tpu.memory_space<vmem>> -> memref<128xi32, #tpu.memory_space<vmem>>
        %dma_start3A_27 = arith.constant 0 : i32
        %dma_start3A_28 = arith.constant 0 : i32
        %dma_start3A_29 = tpu.memref_slice %arg10[%dma_start3A_27, %dma_start3A_28] : memref<10240x64xf32, #tpu.memory_space<vmem_shared>> -> memref<10240x64xf32, #tpu.memory_space<vmem_shared>>
        tpu.enqueue_indirect_dma source(%arg9 : memref<128x64xf32, #tpu.memory_space<vmem>>) target(%dma_start3A_29 : memref<10240x64xf32, #tpu.memory_space<vmem_shared>>) offsets(%dma_start3A_26 : memref<128xi32, #tpu.memory_space<vmem>>) semaphore(%run_scoped3A : memref<!tpu.dma_semaphore, #tpu.memory_space<semaphore_mem>>) {add = true}
        %dma_wait3A_30 = arith.constant 0 : i32
        %dma_wait3A_31 = tpu.memref_slice %arg8[%scan3A_13, %dma_wait3A_30] : memref<79x128xi32, #tpu.memory_space<vmem>> -> memref<1x128xi32, #tpu.memory_space<vmem>>
        %dma_wait3A_32 = tpu.memref_squeeze %dma_wait3A_31 : memref<1x128xi32, #tpu.memory_space<vmem>> -> memref<128xi32, #tpu.memory_space<vmem>>
        %dma_wait3A_33 = arith.constant 0 : i32
        %dma_wait3A_34 = arith.constant 0 : i32
        %dma_wait3A_35 = tpu.memref_slice %arg10[%dma_wait3A_33, %dma_wait3A_34] : memref<10240x64xf32, #tpu.memory_space<vmem_shared>> -> memref<10240x64xf32, #tpu.memory_space<vmem_shared>>
        tpu.wait_indirect_dma semaphore(%run_scoped3A : memref<!tpu.dma_semaphore, #tpu.memory_space<semaphore_mem>>) src(%arg9 : memref<128x64xf32, #tpu.memory_space<vmem>>) dst(%dma_wait3A_35 : memref<10240x64xf32, #tpu.memory_space<vmem_shared>>)
        tpu.yield
      }) : () -> ()
    }
    %scan3A_7 = arith.constant 79 : i32
    %barrier3A_8 = arith.constant 0 : index
    tpu.barrier barrier_id(%barrier3A_8)
    %mul3A_9 = arith.constant 640 : i32
    %mul3A_10 = arith.muli %arg1, %mul3A_9 : i32
    %mul3A_11 = arith.constant 640 : i32
    %mul3A_12 = arith.muli %arg1, %mul3A_11 : i32
    "tpu.region"() ({
      %run_scoped3A = tpu.sem_alloc : memref<!tpu.dma_semaphore, #tpu.memory_space<semaphore_mem>>
      %dma_start3A = arith.constant 0 : i32
      %dma_start3A_13 = tpu.memref_slice %arg6[%arg0, %mul3A_12, %dma_start3A] : memref<2x10240x64xf32, #tpu.memory_space<hbm>> -> memref<1x640x64xf32, #tpu.memory_space<hbm>>
      %dma_start3A_14 = tpu.memref_squeeze %dma_start3A_13 : memref<1x640x64xf32, #tpu.memory_space<hbm>> -> memref<640x64xf32, #tpu.memory_space<hbm>>
      %dma_start3A_15 = arith.constant 0 : i32
      %dma_start3A_16 = tpu.memref_slice %arg10[%mul3A_10, %dma_start3A_15] : memref<10240x64xf32, #tpu.memory_space<vmem_shared>> -> memref<640x64xf32, #tpu.memory_space<vmem_shared>>
      tpu.enqueue_dma source(%dma_start3A_16 : memref<640x64xf32, #tpu.memory_space<vmem_shared>>) target(%dma_start3A_14 : memref<640x64xf32, #tpu.memory_space<hbm>>) target_semaphore(%run_scoped3A : memref<!tpu.dma_semaphore, #tpu.memory_space<semaphore_mem>>)
      %dma_wait3A = arith.constant 0 : i32
      %dma_wait3A_17 = tpu.memref_slice %arg6[%arg0, %mul3A_12, %dma_wait3A] : memref<2x10240x64xf32, #tpu.memory_space<hbm>> -> memref<1x640x64xf32, #tpu.memory_space<hbm>>
      %dma_wait3A_18 = tpu.memref_squeeze %dma_wait3A_17 : memref<1x640x64xf32, #tpu.memory_space<hbm>> -> memref<640x64xf32, #tpu.memory_space<hbm>>
      %dma_wait3A_19 = arith.constant 0 : i32
      %dma_wait3A_20 = tpu.memref_slice %arg10[%mul3A_10, %dma_wait3A_19] : memref<10240x64xf32, #tpu.memory_space<vmem_shared>> -> memref<640x64xf32, #tpu.memory_space<vmem_shared>>
      tpu.wait_dma2 semaphore(%run_scoped3A : memref<!tpu.dma_semaphore, #tpu.memory_space<semaphore_mem>>) src(%dma_wait3A_20 : memref<640x64xf32, #tpu.memory_space<vmem_shared>>) dst(%dma_wait3A_18 : memref<640x64xf32, #tpu.memory_space<hbm>>)
      tpu.yield
    }) : () -> ()
    return
  }
}

module attributes {stable_mosaic.version = 14 : i64} {
  func.func @_tc1_body(%arg0: memref<10240x128xf32, #tpu.memory_space<vmem>>, %arg1: memref<128x64xf32, #tpu.memory_space<vmem>>, %arg2: memref<2x10240x1xf32, #tpu.memory_space<vmem>>, %arg3: memref<10240x1xf32, #tpu.memory_space<vmem>>, %arg4: memref<10240x64xf32, #tpu.memory_space<vmem>>, %arg5: memref<10240x1xf32, #tpu.memory_space<vmem>>) attributes {dimension_semantics = [], scalar_prefetch = 0 : i64, scratch_operands = 0 : i64, tpu.core_type = #tpu.core_type<tc>} {
    %get3A = arith.constant 0 : index
    %get3A_0 = arith.constant 0 : index
    %get3A_1 = arith.constant 0 : index
    %get3A_2 = vector.load %arg2[%get3A, %get3A_0, %get3A_1] : memref<2x10240x1xf32, #tpu.memory_space<vmem>>, vector<1x10240x1xf32>
    %get3A_3 = vector.shape_cast %get3A_2 : vector<1x10240x1xf32> to vector<10240x1xf32>
    %get3A_4 = arith.constant 1 : index
    %get3A_5 = arith.constant 0 : index
    %get3A_6 = arith.constant 0 : index
    %get3A_7 = vector.load %arg2[%get3A_4, %get3A_5, %get3A_6] : memref<2x10240x1xf32, #tpu.memory_space<vmem>>, vector<1x10240x1xf32>
    %get3A_8 = vector.shape_cast %get3A_7 : vector<1x10240x1xf32> to vector<10240x1xf32>
    %add3A = arith.addf %get3A_3, %get3A_8 : vector<10240x1xf32>
    %add3A_9 = arith.constant 1.000000e+00 : f32
    %add3A_10 = vector.broadcast %add3A_9 : f32 to vector<10240x1xf32>
    %add3A_11 = arith.addf %add3A, %add3A_10 : vector<10240x1xf32>
    %rsqrt3A = math.rsqrt %add3A_11 : vector<10240x1xf32>
    %get3A_12 = arith.constant 0 : index
    %get3A_13 = arith.constant 0 : index
    %get3A_14 = vector.load %arg3[%get3A_12, %get3A_13] : memref<10240x1xf32, #tpu.memory_space<vmem>>, vector<10240x1xf32>
    %mul3A = arith.mulf %rsqrt3A, %get3A_14 : vector<10240x1xf32>
    %get3A_15 = arith.constant 0 : index
    %get3A_16 = arith.constant 0 : index
    %get3A_17 = vector.load %arg0[%get3A_15, %get3A_16] : memref<10240x128xf32, #tpu.memory_space<vmem>>, vector<10240x128xf32>
    %get3A_18 = arith.constant 0 : index
    %get3A_19 = arith.constant 0 : index
    %get3A_20 = vector.load %arg1[%get3A_18, %get3A_19] : memref<128x64xf32, #tpu.memory_space<vmem>>, vector<128x64xf32>
    %dot_general3A = arith.constant dense<0.000000e+00> : vector<10240x64xf32>
    %dot_general3A_21 = tpu.matmul %get3A_17, %get3A_20, %dot_general3A {dimension_numbers = #tpu.dot_dimension_numbers<[1], [0], [0], [1], [0, 0, 1, 1], [], []>, transpose_lhs_hint = false} : vector<10240x128xf32>, vector<128x64xf32>, vector<10240x64xf32> -> vector<10240x64xf32>
    %mul3A_22 = vector.broadcast %mul3A : vector<10240x1xf32> to vector<10240x64xf32>
    %mul3A_23 = arith.mulf %dot_general3A_21, %mul3A_22 : vector<10240x64xf32>
    %swap3A = arith.constant 0 : index
    %swap3A_24 = arith.constant 0 : index
    %swap3A_25 = vector.load %arg4[%swap3A, %swap3A_24] : memref<10240x64xf32, #tpu.memory_space<vmem>>, vector<10240x64xf32>
    tpu.vector_store %arg4[%swap3A, %swap3A_24], %mul3A_23 {strides = array<i32>} : memref<10240x64xf32, #tpu.memory_space<vmem>>, vector<10240x64xf32>,
    %swap3A_26 = arith.constant 0 : index
    %swap3A_27 = arith.constant 0 : index
    %swap3A_28 = vector.load %arg5[%swap3A_26, %swap3A_27] : memref<10240x1xf32, #tpu.memory_space<vmem>>, vector<10240x1xf32>
    tpu.vector_store %arg5[%swap3A_26, %swap3A_27], %mul3A {strides = array<i32>} : memref<10240x1xf32, #tpu.memory_space<vmem>>, vector<10240x1xf32>,
    return
  }
}

module attributes {stable_mosaic.version = 14 : i64} {
  func.func @_tc2_body(%arg0: memref<2x10240x64xf32, #tpu.memory_space<vmem>>, %arg1: memref<10240x64xf32, #tpu.memory_space<vmem>>, %arg2: memref<10240x1xf32, #tpu.memory_space<vmem>>, %arg3: memref<1x64xf32, #tpu.memory_space<vmem>>, %arg4: memref<64x32xf32, #tpu.memory_space<vmem>>, %arg5: memref<10240x32xf32, #tpu.memory_space<vmem>>) attributes {dimension_semantics = [], scalar_prefetch = 0 : i64, scratch_operands = 0 : i64, tpu.core_type = #tpu.core_type<tc>} {
    %get3A = arith.constant 0 : index
    %get3A_0 = arith.constant 0 : index
    %get3A_1 = arith.constant 0 : index
    %get3A_2 = vector.load %arg0[%get3A, %get3A_0, %get3A_1] : memref<2x10240x64xf32, #tpu.memory_space<vmem>>, vector<1x10240x64xf32>
    %get3A_3 = vector.shape_cast %get3A_2 : vector<1x10240x64xf32> to vector<10240x64xf32>
    %get3A_4 = arith.constant 1 : index
    %get3A_5 = arith.constant 0 : index
    %get3A_6 = arith.constant 0 : index
    %get3A_7 = vector.load %arg0[%get3A_4, %get3A_5, %get3A_6] : memref<2x10240x64xf32, #tpu.memory_space<vmem>>, vector<1x10240x64xf32>
    %get3A_8 = vector.shape_cast %get3A_7 : vector<1x10240x64xf32> to vector<10240x64xf32>
    %add3A = arith.addf %get3A_3, %get3A_8 : vector<10240x64xf32>
    %get3A_9 = arith.constant 0 : index
    %get3A_10 = arith.constant 0 : index
    %get3A_11 = vector.load %arg1[%get3A_9, %get3A_10] : memref<10240x64xf32, #tpu.memory_space<vmem>>, vector<10240x64xf32>
    %add3A_12 = arith.addf %add3A, %get3A_11 : vector<10240x64xf32>
    %get3A_13 = arith.constant 0 : index
    %get3A_14 = arith.constant 0 : index
    %get3A_15 = vector.load %arg2[%get3A_13, %get3A_14] : memref<10240x1xf32, #tpu.memory_space<vmem>>, vector<10240x1xf32>
    %mul3A = vector.broadcast %get3A_15 : vector<10240x1xf32> to vector<10240x64xf32>
    %mul3A_16 = arith.mulf %add3A_12, %mul3A : vector<10240x64xf32>
    %get3A_17 = arith.constant 0 : index
    %get3A_18 = arith.constant 0 : index
    %get3A_19 = vector.load %arg3[%get3A_17, %get3A_18] : memref<1x64xf32, #tpu.memory_space<vmem>>, vector<1x64xf32>
    %add3A_20 = vector.broadcast %get3A_19 : vector<1x64xf32> to vector<10240x64xf32>
    %add3A_21 = arith.addf %mul3A_16, %add3A_20 : vector<10240x64xf32>
    %max3A = arith.constant 0.000000e+00 : f32
    %max3A_22 = vector.broadcast %max3A : f32 to vector<10240x64xf32>
    %max3A_23 = arith.maximumf %add3A_21, %max3A_22 : vector<10240x64xf32>
    %get3A_24 = arith.constant 0 : index
    %get3A_25 = arith.constant 0 : index
    %get3A_26 = vector.load %arg4[%get3A_24, %get3A_25] : memref<64x32xf32, #tpu.memory_space<vmem>>, vector<64x32xf32>
    %dot_general3A = arith.constant dense<0.000000e+00> : vector<10240x32xf32>
    %dot_general3A_27 = tpu.matmul %max3A_23, %get3A_26, %dot_general3A {dimension_numbers = #tpu.dot_dimension_numbers<[1], [0], [0], [1], [0, 0, 1, 1], [], []>, transpose_lhs_hint = false} : vector<10240x64xf32>, vector<64x32xf32>, vector<10240x32xf32> -> vector<10240x32xf32>
    %get3A_28 = arith.constant 0 : index
    %get3A_29 = arith.constant 0 : index
    %get3A_30 = vector.load %arg2[%get3A_28, %get3A_29] : memref<10240x1xf32, #tpu.memory_space<vmem>>, vector<10240x1xf32>
    %mul3A_31 = vector.broadcast %get3A_30 : vector<10240x1xf32> to vector<10240x32xf32>
    %mul3A_32 = arith.mulf %dot_general3A_27, %mul3A_31 : vector<10240x32xf32>
    %swap3A = arith.constant 0 : index
    %swap3A_33 = arith.constant 0 : index
    %swap3A_34 = vector.load %arg5[%swap3A, %swap3A_33] : memref<10240x32xf32, #tpu.memory_space<vmem>>, vector<10240x32xf32>
    tpu.vector_store %arg5[%swap3A, %swap3A_33], %mul3A_32 {strides = array<i32>} : memref<10240x32xf32, #tpu.memory_space<vmem>>, vector<10240x32xf32>,
    return
  }
}

module attributes {stable_mosaic.version = 14 : i64} {
  func.func @_tc3_body(%arg0: memref<2x10240x32xf32, #tpu.memory_space<vmem>>, %arg1: memref<10240x32xf32, #tpu.memory_space<vmem>>, %arg2: memref<10240x1xf32, #tpu.memory_space<vmem>>, %arg3: memref<1x32xf32, #tpu.memory_space<vmem>>, %arg4: memref<1x10240xi32, #tpu.memory_space<vmem>>, %arg5: memref<32x10xf32, #tpu.memory_space<vmem>>, %arg6: memref<1x10xf32, #tpu.memory_space<vmem>>, %arg7: memref<128x10xf32, #tpu.memory_space<vmem>>) attributes {dimension_semantics = [], scalar_prefetch = 0 : i64, scratch_operands = 0 : i64, tpu.core_type = #tpu.core_type<tc>} {
    %get3A = arith.constant 0 : index
    %get3A_0 = arith.constant 0 : index
    %get3A_1 = arith.constant 0 : index
    %get3A_2 = vector.load %arg0[%get3A, %get3A_0, %get3A_1] : memref<2x10240x32xf32, #tpu.memory_space<vmem>>, vector<1x10240x32xf32>
    %get3A_3 = vector.shape_cast %get3A_2 : vector<1x10240x32xf32> to vector<10240x32xf32>
    %get3A_4 = arith.constant 1 : index
    %get3A_5 = arith.constant 0 : index
    %get3A_6 = arith.constant 0 : index
    %get3A_7 = vector.load %arg0[%get3A_4, %get3A_5, %get3A_6] : memref<2x10240x32xf32, #tpu.memory_space<vmem>>, vector<1x10240x32xf32>
    %get3A_8 = vector.shape_cast %get3A_7 : vector<1x10240x32xf32> to vector<10240x32xf32>
    %add3A = arith.addf %get3A_3, %get3A_8 : vector<10240x32xf32>
    %get3A_9 = arith.constant 0 : index
    %get3A_10 = arith.constant 0 : index
    %get3A_11 = vector.load %arg1[%get3A_9, %get3A_10] : memref<10240x32xf32, #tpu.memory_space<vmem>>, vector<10240x32xf32>
    %add3A_12 = arith.addf %add3A, %get3A_11 : vector<10240x32xf32>
    %get3A_13 = arith.constant 0 : index
    %get3A_14 = arith.constant 0 : index
    %get3A_15 = vector.load %arg2[%get3A_13, %get3A_14] : memref<10240x1xf32, #tpu.memory_space<vmem>>, vector<10240x1xf32>
    %mul3A = vector.broadcast %get3A_15 : vector<10240x1xf32> to vector<10240x32xf32>
    %mul3A_16 = arith.mulf %add3A_12, %mul3A : vector<10240x32xf32>
    %get3A_17 = arith.constant 0 : index
    %get3A_18 = arith.constant 0 : index
    %get3A_19 = vector.load %arg3[%get3A_17, %get3A_18] : memref<1x32xf32, #tpu.memory_space<vmem>>, vector<1x32xf32>
    %add3A_20 = vector.broadcast %get3A_19 : vector<1x32xf32> to vector<10240x32xf32>
    %add3A_21 = arith.addf %mul3A_16, %add3A_20 : vector<10240x32xf32>
    %max3A = arith.constant 0.000000e+00 : f32
    %max3A_22 = vector.broadcast %max3A : f32 to vector<10240x32xf32>
    %max3A_23 = arith.maximumf %add3A_21, %max3A_22 : vector<10240x32xf32>
    %iota3A = tpu.iota {dimensions = array<i32: 0>} : vector<128x10240xi32>
    %get3A_24 = arith.constant 0 : index
    %get3A_25 = arith.constant 0 : index
    %get3A_26 = vector.load %arg4[%get3A_24, %get3A_25] : memref<1x10240xi32, #tpu.memory_space<vmem>>, vector<1x10240xi32>
    %eq3A = vector.broadcast %get3A_26 : vector<1x10240xi32> to vector<128x10240xi32>
    %eq3A_27 = arith.cmpi eq, %iota3A, %eq3A : vector<128x10240xi32>
    %jit3A = arith.constant 1.000000e+00 : f32
    %jit3A_28 = arith.constant 0.000000e+00 : f32
    %broadcast_in_dim3A = vector.broadcast %jit3A : f32 to vector<128x10240xf32>
    %broadcast_in_dim3A_29 = vector.broadcast %jit3A_28 : f32 to vector<128x10240xf32>
    %select_n3A = arith.select %eq3A_27, %broadcast_in_dim3A, %broadcast_in_dim3A_29 : vector<128x10240xi1>, vector<128x10240xf32>
    %dot_general3A = arith.constant dense<0.000000e+00> : vector<128x32xf32>
    %dot_general3A_30 = tpu.matmul %select_n3A, %max3A_23, %dot_general3A {dimension_numbers = #tpu.dot_dimension_numbers<[1], [0], [0], [1], [0, 0, 1, 1], [], []>, transpose_lhs_hint = false} : vector<128x10240xf32>, vector<10240x32xf32>, vector<128x32xf32> -> vector<128x32xf32>
    %reduce_sum3A = arith.constant dense<0.000000e+00> : vector<128xf32>
    %reduce_sum3A_31 = vector.multi_reduction <add>, %select_n3A, %reduce_sum3A [1] : vector<128x10240xf32> to vector<128xf32>
    %broadcast_in_dim3A_32 = vector.shape_cast %reduce_sum3A_31 : vector<128xf32> to vector<128x1xf32>
    %max3A_33 = arith.constant 1.000000e+00 : f32
    %max3A_34 = vector.broadcast %max3A_33 : f32 to vector<128x1xf32>
    %max3A_35 = arith.maximumf %broadcast_in_dim3A_32, %max3A_34 : vector<128x1xf32>
    %div3A = vector.broadcast %max3A_35 : vector<128x1xf32> to vector<128x32xf32>
    %div3A_36 = arith.divf %dot_general3A_30, %div3A : vector<128x32xf32>
    %get3A_37 = arith.constant 0 : index
    %get3A_38 = arith.constant 0 : index
    %get3A_39 = vector.load %arg5[%get3A_37, %get3A_38] : memref<32x10xf32, #tpu.memory_space<vmem>>, vector<32x10xf32>
    %dot_general3A_40 = arith.constant dense<0.000000e+00> : vector<128x10xf32>
    %dot_general3A_41 = tpu.matmul %div3A_36, %get3A_39, %dot_general3A_40 {dimension_numbers = #tpu.dot_dimension_numbers<[1], [0], [0], [1], [0, 0, 1, 1], [], []>, transpose_lhs_hint = false} : vector<128x32xf32>, vector<32x10xf32>, vector<128x10xf32> -> vector<128x10xf32>
    %get3A_42 = arith.constant 0 : index
    %get3A_43 = arith.constant 0 : index
    %get3A_44 = vector.load %arg6[%get3A_42, %get3A_43] : memref<1x10xf32, #tpu.memory_space<vmem>>, vector<1x10xf32>
    %add3A_45 = vector.broadcast %get3A_44 : vector<1x10xf32> to vector<128x10xf32>
    %add3A_46 = arith.addf %dot_general3A_41, %add3A_45 : vector<128x10xf32>
    %reduce_max3A = arith.constant dense<0xFF800000> : vector<128xf32>
    %reduce_max3A_47 = vector.multi_reduction <maximumf>, %add3A_46, %reduce_max3A [1] : vector<128x10xf32> to vector<128xf32>
    %broadcast_in_dim3A_48 = vector.shape_cast %reduce_max3A_47 : vector<128xf32> to vector<128x1xf32>
    %sub3A = vector.broadcast %broadcast_in_dim3A_48 : vector<128x1xf32> to vector<128x10xf32>
    %sub3A_49 = arith.subf %add3A_46, %sub3A : vector<128x10xf32>
    %exp3A = math.exp %sub3A_49 : vector<128x10xf32>
    %reduce_sum3A_50 = arith.constant dense<0.000000e+00> : vector<128xf32>
    %reduce_sum3A_51 = vector.multi_reduction <add>, %exp3A, %reduce_sum3A_50 [1] : vector<128x10xf32> to vector<128xf32>
    %broadcast_in_dim3A_52 = vector.shape_cast %reduce_sum3A_51 : vector<128xf32> to vector<128x1xf32>
    %log3A = math.log %broadcast_in_dim3A_52 : vector<128x1xf32>
    %add3A_53 = arith.addf %log3A, %broadcast_in_dim3A_48 : vector<128x1xf32>
    %sub3A_54 = vector.broadcast %add3A_53 : vector<128x1xf32> to vector<128x10xf32>
    %sub3A_55 = arith.subf %add3A_46, %sub3A_54 : vector<128x10xf32>
    %swap3A = arith.constant 0 : index
    %swap3A_56 = arith.constant 0 : index
    %swap3A_57 = vector.load %arg7[%swap3A, %swap3A_56] : memref<128x10xf32, #tpu.memory_space<vmem>>, vector<128x10xf32>
    tpu.vector_store %arg7[%swap3A, %swap3A_56], %sub3A_55 {strides = array<i32>} : memref<128x10xf32, #tpu.memory_space<vmem>>, vector<128x10xf32>,
    return
  }
}

</mosaic_0001>

<sc_bundles>
// kernel: kernel.11.cloned.1.call-start
scs
__scs_entry_jumppad:
0x0: {  	(pc) =	sbr.rel $0x88, $3  }
0x1: {  	(tag) =	ssettag $0x0;
	lr =	simm.s32 $0x1  }
0x2: {  	[smem:$0x3F98] =	sst lr;
	_ =	strace $0xD0000000  }
0x3: {  	_ = 	snop  }
0x4: {  	_ = 	snop  }
0x5: {  	_ = 	snop  }
0x6: {  	_ = 	snop  }
0x7: {  	_ = 	snop  }
__scs_overlays_trampoline_lowered:
0x8: {  	[smem:$0x3FA7] =	sst s0  }
0x9: {  	[smem:$0x3FA8] =	sst s1  }
0xa: {  	[smem:$0x3FA9] =	sst s2  }
0xb: {  	[smem:$0x3FAA] =	sst s3  }
0xc: {  	[smem:$0x3FAB] =	sst s4  }
0xd: {  	[smem:$0x3FAC] =	sst s5  }
0xe: {  	[smem:$0x3FAD] =	sst s6  }
0xf: {  	[smem:$0x3FAE] =	sst s7  }
0x10: {  	[smem:$0x3FAF] =	sst s8  }
0x11: {  	[smem:$0x3FB0] =	sst s9;
	s0 =	simm.s32 @!p0 $0x0  }
0x12: {  	s1 =	sld [smem:$0x3F96];
	s0 =	simm.s32 @p0 $0x1  }
0x13: {  	[smem:$0x3FB1] =	sst s0;
	s0 =	simm.s32 @!p1 $0x0  }
0x14: {  	s2 =	sld [smem:$0x3F95];
	s0 =	simm.s32 @p1 $0x1  }
0x15: {  	[smem:$0x3FB2] =	sst s0;
	s0 =	simm.s32 @!p2 $0x0  }
0x16: {  	s3 =	sld [smem:$0x3FDB];
	s0 =	simm.s32 @p2 $0x1  }
0x17: {  	s4 =	simm.s32 $0x1BF5;
	[smem:$0x3FB4] =	sst s0  }
0x18: {  	s0 =	sld [smem:$0x3F97];
	_ =	swait.ge [sflag:s4], $0x0  }
0x19: {  	s7 =	sld [smem:$0x3F98]  }
0x1a: {  	s8 =	sadd.s32 $0xFFFFE003, lr  }
0x1b: {  	s9 =	sadd.s32 $0xFFFFFEF7, lr;
	s5 =	simm.s32 $0xFFFFFFFF;
	p2 =	slt.u32 s8, $0xFFFFF086  }
0x1c: {  	p1 =	slt.u32 s9, $0xF7A;
	s5 =	simm.s32 @!p2 $0x0  }
0x1d: {  	s5 =	simm.s32 @p1 $0x1;
	p0 =	seq.s32 s7, s2  }
0x1e: {  	s7 =	smul.u32 @!p0 $0xF7A, s2;
	p2 =	seq.s32 @!p0 s5, $0x0  }
0x1f: {  	s9 =	smul.u32 $0xF7A, s1;
	s8 =	simm.s32 @!p0 $0x1BF5;
	p2 =	por !p2, p0  }
0x20: {  	[sflag:s8] =	ssyncset.s32 @!p0 $0xFFFFF086;
	s6 =	sadd.s32 @!p0 s3, s7;
	s7 =	simm.s32 @!p0 $0x108  }
0x21: {  	s3 =	sadd.s32 s3, s9;
	s6 =	sadd.s32 @!p0 $0x88, s6;
	s7 =	simm.s32 @p2 $0x1082  }
0x22: {  	[simem:s7], [sflag:s8] =	dma.local @!p0 [hbm:s6], $0xF7A  }
0x23: {  	s9 =	sor.u32 $0xD0000000, s2;
	s6 =	simm.s32 $0x108;
	_ =	swait.ge @!p0 [sflag:s8], $0x0  }
0x24: {  	s3 =	sadd.s32 $0x88, s3;
	s6 =	simm.s32 @!p1 $0x1082;
	[sflag:s4] =	ssyncset.s32 $0xFFFFF086  }
0x25: {  	[simem:s6], [sflag:s4] =	dma.local [hbm:s3], $0xF7A  }
0x26: {  	[smem:$0x3F98] =	sst s1;
	(tag) =	ssettag s2;
	_ =	strace s9  }
0x27: {  	s1 =	sld [smem:$0x3FA8]  }
0x28: {  	s2 =	sld [smem:$0x3FA9]  }
0x29: {  	s4 =	sld [smem:$0x3FAB]  }
0x2a: {  	p0 =	seq.s32 s5, $0x0;
	s5 =	sld [smem:$0x3FAC]  }
0x2b: {  	s6 =	sld [smem:$0x3FAD]  }
0x2c: {  	s7 =	sld [smem:$0x3FAE]  }
0x2d: {  	s3 =	simm.s32 $0x108;
	s8 =	sld [smem:$0x3FAF]  }
0x2e: {  	s3 =	simm.s32 @!p0 $0x1082;
	s9 =	sld [smem:$0x3FB0]  }
0x2f: {  	lr =	sadd.s32 s0, s3;
	s0 =	sld [smem:$0x3FA7]  }
0x30: {  	s3 =	sld [smem:$0x3FAA]  }
0x31: {  	[smem:$0x3FB3] =	sst s10  }
0x32: {  	s10 =	sld [smem:$0x3FB1];
	_ =	sdelay $0x3  }
0x33: {  	p0 =	seq.s32 s10, $0x1;
	s10 =	sld [smem:$0x3FB3];
	_ =	sdelay $0x3  }
0x34: {  	[smem:$0x3FB3] =	sst s10  }
0x35: {  	s10 =	sld [smem:$0x3FB2];
	_ =	sdelay $0x3  }
0x36: {  	p1 =	seq.s32 s10, $0x1;
	s10 =	sld [smem:$0x3FB3];
	_ =	sdelay $0x3  }
0x37: {  	[smem:$0x3FB3] =	sst s10  }
0x38: {  	s10 =	sld [smem:$0x3FB4]  }
0x39: {  	_ = 	snop;
	(pc) =	sbr.ind lr, $3  }
0x3a: {  	_ = 	snop  }
0x3b: {  	_ = 	snop  }
0x3c: {  	p2 =	seq.s32 s10, $0x1;
	s10 =	sld [smem:$0x3FB3]  }
0x3d: {  	_ =	shalt  }
0x3e: {  	_ =	shalt  }
0x3f: {  	_ =	shalt  }
0x40: {  	_ =	shalt  }
0x41: {  	_ =	shalt  }
0x42: {  	_ =	shalt  }
0x43: {  	_ =	shalt  }
0x44: {  	_ =	shalt  }
0x45: {  	_ =	shalt  }
0x46: {  	_ =	shalt  }
0x47: {  	_ =	shalt  }
0x48: {  	_ =	shalt  }
0x49: {  	_ =	shalt  }
0x4a: {  	_ =	shalt  }
0x4b: {  	_ =	shalt  }
0x4c: {  	_ =	shalt  }
0x4d: {  	_ =	shalt  }
0x4e: {  	_ =	shalt  }
0x4f: {  	_ =	shalt  }
0x50: {  	_ =	shalt  }
0x51: {  	_ =	shalt  }
0x52: {  	_ =	shalt  }
0x53: {  	_ =	shalt  }
0x54: {  	_ =	shalt  }
0x55: {  	_ =	shalt  }
0x56: {  	_ =	shalt  }
0x57: {  	_ =	shalt  }
0x58: {  	_ =	shalt  }
0x59: {  	_ =	shalt  }
0x5a: {  	_ =	shalt  }
0x5b: {  	_ =	shalt  }
0x5c: {  	_ =	shalt  }
0x5d: {  	_ =	shalt  }
0x5e: {  	_ =	shalt  }
0x5f: {  	_ =	shalt  }
0x60: {  	_ =	shalt  }
0x61: {  	_ =	shalt  }
0x62: {  	_ =	shalt  }
0x63: {  	_ =	shalt  }
0x64: {  	_ =	shalt  }
0x65: {  	_ =	shalt  }
0x66: {  	_ =	shalt  }
0x67: {  	_ =	shalt  }
0x68: {  	_ =	shalt  }
0x69: {  	_ =	shalt  }
0x6a: {  	_ =	shalt  }
0x6b: {  	_ =	shalt  }
0x6c: {  	_ =	shalt  }
0x6d: {  	_ =	shalt  }
0x6e: {  	_ =	shalt  }
0x6f: {  	_ =	shalt  }
0x70: {  	_ =	shalt  }
0x71: {  	_ =	shalt  }
0x72: {  	_ =	shalt  }
0x73: {  	_ =	shalt  }
0x74: {  	_ =	shalt  }
0x75: {  	_ =	shalt  }
0x76: {  	_ =	shalt  }
0x77: {  	_ =	shalt  }
0x78: {  	_ =	shalt  }
0x79: {  	_ =	shalt  }
0x7a: {  	_ =	shalt  }
0x7b: {  	_ =	shalt  }
0x7c: {  	_ =	shalt  }
0x7d: {  	_ =	shalt  }
0x7e: {  	_ =	shalt  }
0x7f: {  	_ =	shalt  }
0x80: {  	_ =	shalt  }
0x81: {  	_ =	shalt  }
0x82: {  	_ =	shalt  }
0x83: {  	_ =	shalt  }
0x84: {  	_ =	shalt  }
0x85: {  	_ =	shalt  }
0x86: {  	_ =	shalt  }
0x87: {  	_ =	shalt  }
.Lfunc_end0:
.L_simem_size_0:
called_computation.1_lowered:
.L_overlay_start_0:
0x88: {  	s2 =	sld [smem:$0x3FD9]  }
0x89: {  	s3 =	sld [smem:$0x3FFE];
	_ =	sdelay $0x1  }
0x8a: {  	s1 =	srdreg.scid  }
0x8b: {  	s0 =	sand.u32 $0x1, s1  }
0x8c: {  	s16 =	sshll.u32 s0, $0xA;
	s2 =	sadd.s32 s3, s2  }
0x8d: {  	s2 =	sadd.s32 s2, s16  }
0x8e: {  	[smem:$0x3FBF] =	sst s2  }
0x8f: {  	_ = 	snop  }
0x90: {  	(tm) =	ssettm $0x1  }
0x91: {  	s17 =	sld [smem:$0x3FFB];
	_ =	sdelay $0x3  }
0x92: {  	_ =	strace s17  }
0x93: {  	s2 =	sld [smem:$0x3FFC];
	_ =	sdelay $0x3  }
0x94: {  	_ =	strace s2  }
0x95: {  	s2 =	sld [smem:$0x3FFD];
	_ =	sdelay $0x3  }
0x96: {  	_ =	strace s2  }
0x97: {  	_ =	strace $0x8FFFFFFF  }
0x98: {  	s18 =	sld [smem:$0x3FDB];
	_ =	sdelay $0x1  }
0x99: {  	s19 =	simm.s32 $_scs_section_size  }
0x9a: {  	s4 =	simm.s32 $_size__tile_overlayer_lowered;
	s5 =	simm.s32 $_tile_overlayer_lowered  }
0x9b: {  	s22 =	simm.s32 $0x1BFF;
	s21 =	sshll.u32 s5, $0x1;
	s2 =	sadd.s32 s19, s18  }
0x9c: {  	s6 =	simm.s32 $0x0;
	s20 =	sshll.u32 s4, $0x1;
	s4 =	sadd.s32 s21, s2  }
0x9d: {  	[timem:s6], [sflag:s22] =	dma.local [hbm:s4], s20  }
0x9e: {  	_ =	swait.ge [sflag:s22], s20  }
0x9f: {  	s3 =	ssub.s32 $0x0, s20;
	[sflag:s22] =	ssyncset.done $0x0  }
0xa0: {  	[sflag:s22] =	ssyncadd.s32 s3;
	_ =	sdelay $0x1  }
0xa1: {  	s23 =	simm.s32 $0x1B8B  }
0xa2: {  	_ =	swait.ge [sflag:s23], $0x1  }
0xa3: {  	[sflag:s23] =	ssyncset.done $0x0  }
0xa4: {  	s25 =	simm.s32 $0x1B8E;
	s24 =	sld [smem:$0x3FFE];
	[sflag:s23] =	ssyncadd.s32 $0xFFFFFFFF  }
0xa5: {  	s26 =	simm.s32 $execute0_lowered;
	[smem:$0x3FD2] =	sst s25  }
0xa6: {  	s4 =	sshll.u32 s26, $0x1;
	_ =	strace $0x80000049;
	[dreg:$0x1] =	wrdreg $0xFFFFFFFF  }
0xa7: {  	s28 =	simm.s32 $_size_execute0_lowered;
	s2 =	sadd.s32 s2, s4;
	[dreg:$0x0] =	wrdreg $0x0  }
0xa8: {  	s4 =	sshll.u32 s28, $0x1;
	[dreg:$0x2] =	wrdreg s2  }
0xa9: {  	[dreg:$0x3] =	wrdreg s4  }
0xaa: {  	[dreg:$0x4] =	wrdreg $0xC0  }
0xab: {  	_ =	task [dreg:s6], $0x5FFFF  }
0xac: {  	[dreg:$0x1] =	wrdreg $0xFFFFFFFF  }
0xad: {  	[dreg:$0x0] =	wrdreg $0x60  }
0xae: {  	[dreg:$0x2] =	wrdreg s24  }
0xaf: {  	[dreg:$0x3] =	wrdreg $0x6F000  }
0xb0: {  	[dreg:$0x4] =	wrdreg $0x9  }
0xb1: {  	_ =	task.clear_ibuf [dreg:s6], $0x5FFFF;
	_ =	strace $0x90000049  }
0xb2: {  	s29 =	simm.s32 $0x9;
	_ =	strace $0x8000004B  }
0xb3: {  	_ =	swait.ge [sflag:s29], $0x1  }
0xb4: {  	[sflag:s29] =	ssyncadd.s32 $0xFFFFFFFF  }
0xb5: {  	_ =	strace $0x9000004B  }
0xb6: {  	_ =	sfence  }
0xb7: {  	s30 =	sld [smem:$0x0];
	_ =	sdelay $0x2  }
0xb8: {  	s31 =	sshll.u32 s1, $0xD;
	s1 =	sshrl.u32 s1, $0x2  }
0xb9: {  	s3 =	sand.u32 $0x4000, s31;
	s1 =	sadd.s32 s1, s30  }
0xba: {  	s0 =	sor.u32 s3, s0;
	s1 =	sshll.u32 s1, $0x11  }
0xbb: {  	s0 =	sor.u32 s1, s0  }
0xbc: {  	s0 =	sadd.s32 $0x8F2B, s0  }
0xbd: {  	[sflag:s0] =	ssyncadd.remote.s32 $0x1  }
0xbe: {  	_ =	sfence.sel $0xFFFF  }
0xbf: {  	[dreg:$0x0] =	wrdreg $0xFFFFFFFF;
	(pc) =	sbr.abs _section_cstart, $3  }
0xc0: {  	[dreg:$0x1] =	wrdreg $0xFFFFFFFF  }
0xc1: {  	_ =	task.clear_ibuf [dreg:s6], $0x2FFFF;
	_ =	strace $0x9FFFFFFF  }
0xc2: {  	(tm) =	ssettm $0x7FFFFFFF  }
0xc3: {  	_ =	shalt  }
tec
execute0_lowered:
.L_overlay_start_1:
0x0: {  	(tag) =	ssettag $0x1  }
0x1: {  	s0 =	srdreg.scid  }
0x2: {  	s15 =	stileid.u32;
	s5 =	rddreg [dreg:$0x0]  }
0x3: {  	s1 =	rddreg [dreg:$0x1];
	s2 =	simm.s32 $0x0;
	s12 =	simm.s32 $0x80  }
0x4: {  	s13 =	simm.s32 $0x4F00;
	s14 =	simm.s32 $0x1;
	s17 =	simm.s32 $0x0  }
0x5: {  	s4 =	sand.u32 $0x1, s0;
	[smem:$0x7FF] =	sst s2;
	s8 =	smul.u32 $0xA000, s15  }
0x6: {  	s3 =	sadd.s32 $0x15C00, s5;
	p0 =	sne.s32 s15, $0x0;
	s0 =	sshll.u32 s4, $0x4  }
0x7: {  	s7 =	smul.u32 $0xA0000, s4;
	s9 =	ssub.s32 $0x2, s4;
	s4 =	sadd.s32 $0x29C00, s5  }
0x8: {  	s11 =	sshrl.u32 @!p0 s1, $0x3;
	s0 =	sor.u32 s15, s0;
	s10 =	sshrl.u32 s9, $0x1  }
0x9: {  	s16 =	sadd.s32 s8, s1;
	s15 =	sshll.u32 s15, $0x6;
	s6 =	smul.u32 $0x4F0, s0  }
0xa: {  	s0 =	rddreg [dreg:$0x2];
	_ =	strace $0x8000004A;
	s7 =	sadd.s32 s8, s7  }
0xb: {  	s9 =	ssub.s32 s9, s10;
	s10 =	simm.s32 $0x2780;
	s15 =	sor.u32 $0x1C02, s15  }
0xc: {  	s16 =	sshrl.u32 s16, $0x3;
	s7 =	sshrl.u32 s7, $0x3;
	s8 =	smax.u32 s9, $0x1  }
0xd: {  	s9 =	simm.s32 $0x2;
	s6 =	sadd.s32 s6, s5;
	s7 =	sadd.s32 s7, s5  }
0xe: {  	s5 =	sadd.s32 $0x2000, s6;
	s6 =	sadd.s32 $0xBE00, s6;
	s7 =	sadd.s32 $0x3DC00, s7  }
.LBB2_1:
0xf: {  	[tilespmem:s2], [sflag:$0x2] =	stream.linear.gather [hbm4b:s5+s2], $0x2780, $0x38;
	[tilespmem:$0x10F00] =	vst v63  }
0x10: {  	_ =	swait.ge [sflag:s9], $0x2780  }
0x11: {  	[sflag:s9] =	ssyncset.done $0x0  }
0x12: {  	[sflag:s9] =	ssyncadd.s32 $0xFFFFD880  }
0x13: {  	[tilespmem:s10], [sflag:$0x2] =	stream.linear.gather [hbm4b:s6+s2], $0x2780, $0x38;
	[tilespmem:$0x10F00] =	vst v63  }
0x14: {  	_ =	swait.ge [sflag:s9], $0x2780  }
0x15: {  	[sflag:s9] =	ssyncset.done $0x0  }
0x16: {  	s18 =	simm.s32 @!p0 $0x1C02;
	[sflag:s9] =	ssyncadd.s32 $0xFFFFD880  }
0x17: {  	[spmem:s11], [sflag:s18] =	dma.local @!p0 [hbm:s4], $0x14000  }
0x18: {  	s18 =	simm.s32 @!p0 $0x2  }
0x19: {  	_ =	swait.ge @!p0 [sflag:s18], $0x14000  }
0x1a: {  	[sflag:s18] =	ssyncset.done @!p0 $0x0  }
0x1b: {  	[sflag:s18] =	ssyncadd.s32 @!p0 $0xFFFEC000  }
0x1c: {  	s30 =	simm.s32 $0x0;
	[bflag:$0x0] =	sbarrier.arrive $0xFFFF  }
0x1d: {  	[tilespmem:s13], [sflag:$0x1] =	stream.indirect.gather [hbm4b:s3+s12], $0x40, s30, s12, $0xb8;
	[tilespmem:$0x10F00] =	vst v63  }
0x1e: {  	_ =	swait.ge [sflag:s14], $0x2000  }
0x1f: {  	[sflag:s14] =	ssyncset.done $0x0  }
0x20: {  	s31 =	simm.s32 $0x2780;
	[sflag:s14] =	ssyncadd.s32 $0xFFFFE000  }
0x21: {  	[spmem:s1] =	stream.indirect.scatter.add.f32 [tilespmem:s13], [sflag:$0x2], $0x40, s31, s12, $0xb8;
	[tilespmem:$0x10F00] =	vst v63  }
0x22: {  	_ =	swait.ge [sflag:s9], $0x2000  }
0x23: {  	s19 =	simm.s32 $0x400;
	s18 =	simm.s32 $0x200;
	[sflag:s9] =	ssyncset.done $0x0  }
.LBB2_2:
0x24: {  	s20 =	sshra.s32 s18, $0x2  }
0x25: {  	[sflag:s9] =	ssyncadd.s32 $0xFFFFE000;
	s18 =	smov.u32 s19;
	s21 =	sadd.s32 $0x200, s19  }
0x26: {  	[tilespmem:s13], [sflag:$0x1] =	stream.indirect.gather [hbm4b:s3+s12], $0x40, s20, s12, $0xb8;
	[tilespmem:$0x10F00] =	vst v63  }
0x27: {  	p1 =	sne.s32 s19, $0x9C00;
	_ =	swait.ge [sflag:s14], $0x2000  }
.Ltmp0:
0x28: {  	[sflag:s14] =	ssyncset.done $0x0;
	(pc) =	sbr.rel @p1 .LBB2_2-.Ltmp0, $4  }
0x29: {  	s19 =	sadd.s32 $0x2780, s20;
	[sflag:s14] =	ssyncadd.s32 $0xFFFFE000  }
0x2a: {  	[spmem:s1] =	stream.indirect.scatter.add.f32 [tilespmem:s13], [sflag:$0x2], $0x40, s19, s12, $0xb8;
	[tilespmem:$0x10F00] =	vst v63  }
0x2b: {  	_ =	swait.ge [sflag:s9], $0x2000  }
0x2c: {  	s19 =	smov.u32 s21;
	[sflag:s9] =	ssyncset.done $0x0  }
0x2d: {  	s18 =	sshra.s32 s18, $0x2;
	[sflag:s9] =	ssyncadd.s32 $0xFFFFE000  }
0x2e: {  	[tilespmem:s13], [sflag:$0x1] =	stream.indirect.gather [hbm4b:s3+s12], $0x40, s18, s12, $0xb8;
	[tilespmem:$0x10F00] =	vst v63  }
0x2f: {  	_ =	swait.ge [sflag:s14], $0x2000  }
0x30: {  	[sflag:s14] =	ssyncset.done $0x0  }
0x31: {  	s18 =	sadd.s32 $0x2780, s18;
	[sflag:s14] =	ssyncadd.s32 $0xFFFFE000  }
0x32: {  	[spmem:s1] =	stream.indirect.scatter.add.f32 [tilespmem:s13], [sflag:$0x2], $0x40, s18, s12, $0xb8;
	[tilespmem:$0x10F00] =	vst v63  }
0x33: {  	_ =	swait.ge [sflag:s9], $0x2000  }
0x34: {  	s17 =	sadd.s32 $0x1, s17;
	[sflag:s9] =	ssyncset.done $0x0  }
0x35: {  	p1 =	sne.s32 s17, s8;
	[sflag:s9] =	ssyncadd.s32 $0xFFFFE000  }
.Ltmp1:
0x36: {  	[bflag:$0x0] =	sbarrier.arrive $0xFFFF;
	(pc) =	sbr.rel @p1 .LBB2_1-.Ltmp1, $4  }
0x37: {  	[hbm:s7], [sflag:s15] =	dma.local [spmem:s16], $0x1400  }
0x38: {  	_ =	swait.ge [sflag:s9], $0x1400  }
0x39: {  	[sflag:s9] =	ssyncset.done $0x0  }
0x3a: {  	[sflag:s9] =	ssyncadd.s32 $0xFFFFEC00  }
0x3b: {  	_ =	sfence.sel $0x180000  }
0x3c: {  	[bflag:$0x0] =	sbarrier.arrive $0xFFFF  }
0x3d: {  	_ =	strace $0x9000004A  }
0x3e: {  	s0 =	sadd.s32 @!p0 $0x100000, s0;
	[bflag:$0x2] =	sbarrier.arrive $0xFFFF  }
0x3f: {  	[sflag:s0] =	ssyncadd.tile.s32 @!p0 $0x1;
	_ =	shalt  }
.Lfunc_end2:
_tile_overlayer_lowered:
.L_overlay_start_2:
0x40: {  	(tag) =	ssettag $0x2  }
0x41: {  	s0 =	rddreg [dreg:$0x0];
	s2 =	stileid.u32  }
0x42: {  	s1 =	rddreg [dreg:$0x1];
	p0 =	sne.s32 s2, $0x0  }
0x43: {  	s3 =	rddreg [dreg:$0x2];
	[bflag:$0x3] =	sbarrier.arrive $0xFFFF;
	s2 =	simm.s32 @!p0 $0x1C02  }
0x44: {  	[timem:s3], [sflag:s2] =	dma.local @!p0 [hbm:s0], s1  }
0x45: {  	s0 =	simm.s32 @!p0 $0x2  }
0x46: {  	_ =	swait.ge @!p0 [sflag:s0], s1  }
0x47: {  	s1 =	ssub.s32 @!p0 $0x0, s1;
	[sflag:s0] =	ssyncset.done @!p0 $0x0  }
0x48: {  	[sflag:s0] =	ssyncadd.s32 @!p0 s1  }
0x49: {  	[bflag:$0x3] =	sbarrier.arrive $0xFFFF  }
0x4a: {  	_ =	shalt  }

// kernel: kernel.14.cloned.1.call-start
scs
__scs_entry_jumppad:
0x0: {  	(pc) =	sbr.rel $0x88, $3  }
0x1: {  	(tag) =	ssettag $0x0;
	lr =	simm.s32 $0x1  }
0x2: {  	[smem:$0x3F98] =	sst lr;
	_ =	strace $0xD0000000  }
0x3: {  	_ = 	snop  }
0x4: {  	_ = 	snop  }
0x5: {  	_ = 	snop  }
0x6: {  	_ = 	snop  }
0x7: {  	_ = 	snop  }
__scs_overlays_trampoline_lowered:
0x8: {  	[smem:$0x3FA7] =	sst s0  }
0x9: {  	[smem:$0x3FA8] =	sst s1  }
0xa: {  	[smem:$0x3FA9] =	sst s2  }
0xb: {  	[smem:$0x3FAA] =	sst s3  }
0xc: {  	[smem:$0x3FAB] =	sst s4  }
0xd: {  	[smem:$0x3FAC] =	sst s5  }
0xe: {  	[smem:$0x3FAD] =	sst s6  }
0xf: {  	[smem:$0x3FAE] =	sst s7  }
0x10: {  	[smem:$0x3FAF] =	sst s8  }
0x11: {  	[smem:$0x3FB0] =	sst s9;
	s0 =	simm.s32 @!p0 $0x0  }
0x12: {  	s1 =	sld [smem:$0x3F96];
	s0 =	simm.s32 @p0 $0x1  }
0x13: {  	[smem:$0x3FB1] =	sst s0;
	s0 =	simm.s32 @!p1 $0x0  }
0x14: {  	s2 =	sld [smem:$0x3F95];
	s0 =	simm.s32 @p1 $0x1  }
0x15: {  	[smem:$0x3FB2] =	sst s0;
	s0 =	simm.s32 @!p2 $0x0  }
0x16: {  	s3 =	sld [smem:$0x3FDB];
	s0 =	simm.s32 @p2 $0x1  }
0x17: {  	s4 =	simm.s32 $0x1BF5;
	[smem:$0x3FB4] =	sst s0  }
0x18: {  	s0 =	sld [smem:$0x3F97];
	_ =	swait.ge [sflag:s4], $0x0  }
0x19: {  	s7 =	sld [smem:$0x3F98]  }
0x1a: {  	s8 =	sadd.s32 $0xFFFFE003, lr  }
0x1b: {  	s9 =	sadd.s32 $0xFFFFFEF7, lr;
	s5 =	simm.s32 $0xFFFFFFFF;
	p2 =	slt.u32 s8, $0xFFFFF086  }
0x1c: {  	p1 =	slt.u32 s9, $0xF7A;
	s5 =	simm.s32 @!p2 $0x0  }
0x1d: {  	s5 =	simm.s32 @p1 $0x1;
	p0 =	seq.s32 s7, s2  }
0x1e: {  	s7 =	smul.u32 @!p0 $0xF7A, s2;
	p2 =	seq.s32 @!p0 s5, $0x0  }
0x1f: {  	s9 =	smul.u32 $0xF7A, s1;
	s8 =	simm.s32 @!p0 $0x1BF5;
	p2 =	por !p2, p0  }
0x20: {  	[sflag:s8] =	ssyncset.s32 @!p0 $0xFFFFF086;
	s6 =	sadd.s32 @!p0 s3, s7;
	s7 =	simm.s32 @!p0 $0x108  }
0x21: {  	s3 =	sadd.s32 s3, s9;
	s6 =	sadd.s32 @!p0 $0x88, s6;
	s7 =	simm.s32 @p2 $0x1082  }
0x22: {  	[simem:s7], [sflag:s8] =	dma.local @!p0 [hbm:s6], $0xF7A  }
0x23: {  	s9 =	sor.u32 $0xD0000000, s2;
	s6 =	simm.s32 $0x108;
	_ =	swait.ge @!p0 [sflag:s8], $0x0  }
0x24: {  	s3 =	sadd.s32 $0x88, s3;
	s6 =	simm.s32 @!p1 $0x1082;
	[sflag:s4] =	ssyncset.s32 $0xFFFFF086  }
0x25: {  	[simem:s6], [sflag:s4] =	dma.local [hbm:s3], $0xF7A  }
0x26: {  	[smem:$0x3F98] =	sst s1;
	(tag) =	ssettag s2;
	_ =	strace s9  }
0x27: {  	s1 =	sld [smem:$0x3FA8]  }
0x28: {  	s2 =	sld [smem:$0x3FA9]  }
0x29: {  	s4 =	sld [smem:$0x3FAB]  }
0x2a: {  	p0 =	seq.s32 s5, $0x0;
	s5 =	sld [smem:$0x3FAC]  }
0x2b: {  	s6 =	sld [smem:$0x3FAD]  }
0x2c: {  	s7 =	sld [smem:$0x3FAE]  }
0x2d: {  	s3 =	simm.s32 $0x108;
	s8 =	sld [smem:$0x3FAF]  }
0x2e: {  	s3 =	simm.s32 @!p0 $0x1082;
	s9 =	sld [smem:$0x3FB0]  }
0x2f: {  	lr =	sadd.s32 s0, s3;
	s0 =	sld [smem:$0x3FA7]  }
0x30: {  	s3 =	sld [smem:$0x3FAA]  }
0x31: {  	[smem:$0x3FB3] =	sst s10  }
0x32: {  	s10 =	sld [smem:$0x3FB1];
	_ =	sdelay $0x3  }
0x33: {  	p0 =	seq.s32 s10, $0x1;
	s10 =	sld [smem:$0x3FB3];
	_ =	sdelay $0x3  }
0x34: {  	[smem:$0x3FB3] =	sst s10  }
0x35: {  	s10 =	sld [smem:$0x3FB2];
	_ =	sdelay $0x3  }
0x36: {  	p1 =	seq.s32 s10, $0x1;
	s10 =	sld [smem:$0x3FB3];
	_ =	sdelay $0x3  }
0x37: {  	[smem:$0x3FB3] =	sst s10  }
0x38: {  	s10 =	sld [smem:$0x3FB4]  }
0x39: {  	_ = 	snop;
	(pc) =	sbr.ind lr, $3  }
0x3a: {  	_ = 	snop  }
0x3b: {  	_ = 	snop  }
0x3c: {  	p2 =	seq.s32 s10, $0x1;
	s10 =	sld [smem:$0x3FB3]  }
0x3d: {  	_ =	shalt  }
0x3e: {  	_ =	shalt  }
0x3f: {  	_ =	shalt  }
0x40: {  	_ =	shalt  }
0x41: {  	_ =	shalt  }
0x42: {  	_ =	shalt  }
0x43: {  	_ =	shalt  }
0x44: {  	_ =	shalt  }
0x45: {  	_ =	shalt  }
0x46: {  	_ =	shalt  }
0x47: {  	_ =	shalt  }
0x48: {  	_ =	shalt  }
0x49: {  	_ =	shalt  }
0x4a: {  	_ =	shalt  }
0x4b: {  	_ =	shalt  }
0x4c: {  	_ =	shalt  }
0x4d: {  	_ =	shalt  }
0x4e: {  	_ =	shalt  }
0x4f: {  	_ =	shalt  }
0x50: {  	_ =	shalt  }
0x51: {  	_ =	shalt  }
0x52: {  	_ =	shalt  }
0x53: {  	_ =	shalt  }
0x54: {  	_ =	shalt  }
0x55: {  	_ =	shalt  }
0x56: {  	_ =	shalt  }
0x57: {  	_ =	shalt  }
0x58: {  	_ =	shalt  }
0x59: {  	_ =	shalt  }
0x5a: {  	_ =	shalt  }
0x5b: {  	_ =	shalt  }
0x5c: {  	_ =	shalt  }
0x5d: {  	_ =	shalt  }
0x5e: {  	_ =	shalt  }
0x5f: {  	_ =	shalt  }
0x60: {  	_ =	shalt  }
0x61: {  	_ =	shalt  }
0x62: {  	_ =	shalt  }
0x63: {  	_ =	shalt  }
0x64: {  	_ =	shalt  }
0x65: {  	_ =	shalt  }
0x66: {  	_ =	shalt  }
0x67: {  	_ =	shalt  }
0x68: {  	_ =	shalt  }
0x69: {  	_ =	shalt  }
0x6a: {  	_ =	shalt  }
0x6b: {  	_ =	shalt  }
0x6c: {  	_ =	shalt  }
0x6d: {  	_ =	shalt  }
0x6e: {  	_ =	shalt  }
0x6f: {  	_ =	shalt  }
0x70: {  	_ =	shalt  }
0x71: {  	_ =	shalt  }
0x72: {  	_ =	shalt  }
0x73: {  	_ =	shalt  }
0x74: {  	_ =	shalt  }
0x75: {  	_ =	shalt  }
0x76: {  	_ =	shalt  }
0x77: {  	_ =	shalt  }
0x78: {  	_ =	shalt  }
0x79: {  	_ =	shalt  }
0x7a: {  	_ =	shalt  }
0x7b: {  	_ =	shalt  }
0x7c: {  	_ =	shalt  }
0x7d: {  	_ =	shalt  }
0x7e: {  	_ =	shalt  }
0x7f: {  	_ =	shalt  }
0x80: {  	_ =	shalt  }
0x81: {  	_ =	shalt  }
0x82: {  	_ =	shalt  }
0x83: {  	_ =	shalt  }
0x84: {  	_ =	shalt  }
0x85: {  	_ =	shalt  }
0x86: {  	_ =	shalt  }
0x87: {  	_ =	shalt  }
.Lfunc_end0:
.L_simem_size_0:
called_computation.2_lowered:
.L_overlay_start_0:
0x88: {  	s2 =	sld [smem:$0x3FD9]  }
0x89: {  	s3 =	sld [smem:$0x3FFE];
	_ =	sdelay $0x1  }
0x8a: {  	s1 =	srdreg.scid  }
0x8b: {  	s0 =	sand.u32 $0x1, s1  }
0x8c: {  	s16 =	sshll.u32 s0, $0xA;
	s2 =	sadd.s32 s3, s2  }
0x8d: {  	s2 =	sadd.s32 s2, s16  }
0x8e: {  	[smem:$0x3FBF] =	sst s2  }
0x8f: {  	_ = 	snop  }
0x90: {  	(tm) =	ssettm $0x1  }
0x91: {  	s17 =	sld [smem:$0x3FFB];
	_ =	sdelay $0x3  }
0x92: {  	_ =	strace s17  }
0x93: {  	s2 =	sld [smem:$0x3FFC];
	_ =	sdelay $0x3  }
0x94: {  	_ =	strace s2  }
0x95: {  	s2 =	sld [smem:$0x3FFD];
	_ =	sdelay $0x3  }
0x96: {  	_ =	strace s2  }
0x97: {  	_ =	strace $0x8FFFFFFF  }
0x98: {  	s18 =	sld [smem:$0x3FDB];
	_ =	sdelay $0x1  }
0x99: {  	s19 =	simm.s32 $_scs_section_size  }
0x9a: {  	s4 =	simm.s32 $_size__tile_overlayer_lowered;
	s5 =	simm.s32 $_tile_overlayer_lowered  }
0x9b: {  	s22 =	simm.s32 $0x1BFF;
	s21 =	sshll.u32 s5, $0x1;
	s2 =	sadd.s32 s19, s18  }
0x9c: {  	s6 =	simm.s32 $0x0;
	s20 =	sshll.u32 s4, $0x1;
	s4 =	sadd.s32 s21, s2  }
0x9d: {  	[timem:s6], [sflag:s22] =	dma.local [hbm:s4], s20  }
0x9e: {  	_ =	swait.ge [sflag:s22], s20  }
0x9f: {  	s3 =	ssub.s32 $0x0, s20;
	[sflag:s22] =	ssyncset.done $0x0  }
0xa0: {  	[sflag:s22] =	ssyncadd.s32 s3;
	_ =	sdelay $0x1  }
0xa1: {  	s23 =	simm.s32 $0x1B8B  }
0xa2: {  	_ =	swait.ge [sflag:s23], $0x1  }
0xa3: {  	[sflag:s23] =	ssyncset.done $0x0  }
0xa4: {  	s25 =	simm.s32 $0x1B8E;
	s24 =	sld [smem:$0x3FFE];
	[sflag:s23] =	ssyncadd.s32 $0xFFFFFFFF  }
0xa5: {  	s26 =	simm.s32 $execute0_lowered;
	[smem:$0x3FD2] =	sst s25  }
0xa6: {  	s4 =	sshll.u32 s26, $0x1;
	_ =	strace $0x8000004C;
	[dreg:$0x1] =	wrdreg $0xFFFFFFFF  }
0xa7: {  	s28 =	simm.s32 $_size_execute0_lowered;
	s2 =	sadd.s32 s2, s4;
	[dreg:$0x0] =	wrdreg $0x0  }
0xa8: {  	s4 =	sshll.u32 s28, $0x1;
	[dreg:$0x2] =	wrdreg s2  }
0xa9: {  	[dreg:$0x3] =	wrdreg s4  }
0xaa: {  	[dreg:$0x4] =	wrdreg $0xC0  }
0xab: {  	_ =	task [dreg:s6], $0x5FFFF  }
0xac: {  	[dreg:$0x1] =	wrdreg $0xFFFFFFFF  }
0xad: {  	[dreg:$0x0] =	wrdreg $0x60  }
0xae: {  	[dreg:$0x2] =	wrdreg s24  }
0xaf: {  	[dreg:$0x3] =	wrdreg $0x5F000  }
0xb0: {  	[dreg:$0x4] =	wrdreg $0x9  }
0xb1: {  	_ =	task.clear_ibuf [dreg:s6], $0x5FFFF;
	_ =	strace $0x9000004C  }
0xb2: {  	s29 =	simm.s32 $0x9;
	_ =	strace $0x8000004E  }
0xb3: {  	_ =	swait.ge [sflag:s29], $0x1  }
0xb4: {  	[sflag:s29] =	ssyncadd.s32 $0xFFFFFFFF  }
0xb5: {  	_ =	strace $0x9000004E  }
0xb6: {  	_ =	sfence  }
0xb7: {  	s30 =	sld [smem:$0x0];
	_ =	sdelay $0x2  }
0xb8: {  	s31 =	sshll.u32 s1, $0xD;
	s1 =	sshrl.u32 s1, $0x2  }
0xb9: {  	s3 =	sand.u32 $0x4000, s31;
	s1 =	sadd.s32 s1, s30  }
0xba: {  	s0 =	sor.u32 s3, s0;
	s1 =	sshll.u32 s1, $0x11  }
0xbb: {  	s0 =	sor.u32 s1, s0  }
0xbc: {  	s0 =	sadd.s32 $0x8F2B, s0  }
0xbd: {  	[sflag:s0] =	ssyncadd.remote.s32 $0x1  }
0xbe: {  	_ =	sfence.sel $0xFFFF  }
0xbf: {  	[dreg:$0x0] =	wrdreg $0xFFFFFFFF;
	(pc) =	sbr.abs _section_cstart, $3  }
0xc0: {  	[dreg:$0x1] =	wrdreg $0xFFFFFFFF  }
0xc1: {  	_ =	task.clear_ibuf [dreg:s6], $0x2FFFF;
	_ =	strace $0x9FFFFFFF  }
0xc2: {  	(tm) =	ssettm $0x7FFFFFFF  }
0xc3: {  	_ =	shalt  }
tec
execute0_lowered:
.L_overlay_start_1:
0x0: {  	(tag) =	ssettag $0x1  }
0x1: {  	s0 =	srdreg.scid  }
0x2: {  	s15 =	stileid.u32;
	s5 =	rddreg [dreg:$0x0]  }
0x3: {  	s1 =	rddreg [dreg:$0x1];
	s2 =	simm.s32 $0x0;
	s12 =	simm.s32 $0x80  }
0x4: {  	s13 =	simm.s32 $0x4F00;
	s14 =	simm.s32 $0x1;
	s17 =	simm.s32 $0x0  }
0x5: {  	s4 =	sand.u32 $0x1, s0;
	[smem:$0x7FF] =	sst s2;
	s8 =	smul.u32 $0x5000, s15  }
0x6: {  	s3 =	sadd.s32 $0x15C00, s5;
	p0 =	sne.s32 s15, $0x0;
	s0 =	sshll.u32 s4, $0x4  }
0x7: {  	s7 =	smul.u32 $0x50000, s4;
	s9 =	ssub.s32 $0x2, s4;
	s4 =	sadd.s32 $0x1FC00, s5  }
0x8: {  	s11 =	sshrl.u32 @!p0 s1, $0x3;
	s0 =	sor.u32 s15, s0;
	s10 =	sshrl.u32 s9, $0x1  }
0x9: {  	s16 =	sadd.s32 s8, s1;
	s15 =	sshll.u32 s15, $0x6;
	s6 =	smul.u32 $0x4F0, s0  }
0xa: {  	s0 =	rddreg [dreg:$0x2];
	_ =	strace $0x8000004D;
	s7 =	sadd.s32 s8, s7  }
0xb: {  	s9 =	ssub.s32 s9, s10;
	s10 =	simm.s32 $0x2780;
	s15 =	sor.u32 $0x1C02, s15  }
0xc: {  	s16 =	sshrl.u32 s16, $0x3;
	s7 =	sshrl.u32 s7, $0x3;
	s8 =	smax.u32 s9, $0x1  }
0xd: {  	s9 =	simm.s32 $0x2;
	s6 =	sadd.s32 s6, s5;
	s7 =	sadd.s32 s7, s5  }
0xe: {  	s5 =	sadd.s32 $0x2000, s6;
	s6 =	sadd.s32 $0xBE00, s6;
	s7 =	sadd.s32 $0x29C00, s7  }
.LBB2_1:
0xf: {  	[tilespmem:s2], [sflag:$0x2] =	stream.linear.gather [hbm4b:s5+s2], $0x2780, $0x38;
	[tilespmem:$0xAF00] =	vst v63  }
0x10: {  	_ =	swait.ge [sflag:s9], $0x2780  }
0x11: {  	[sflag:s9] =	ssyncset.done $0x0  }
0x12: {  	[sflag:s9] =	ssyncadd.s32 $0xFFFFD880  }
0x13: {  	[tilespmem:s10], [sflag:$0x2] =	stream.linear.gather [hbm4b:s6+s2], $0x2780, $0x38;
	[tilespmem:$0xAF00] =	vst v63  }
0x14: {  	_ =	swait.ge [sflag:s9], $0x2780  }
0x15: {  	[sflag:s9] =	ssyncset.done $0x0  }
0x16: {  	s18 =	simm.s32 @!p0 $0x1C02;
	[sflag:s9] =	ssyncadd.s32 $0xFFFFD880  }
0x17: {  	[spmem:s11], [sflag:s18] =	dma.local @!p0 [hbm:s4], $0xA000  }
0x18: {  	s18 =	simm.s32 @!p0 $0x2  }
0x19: {  	_ =	swait.ge @!p0 [sflag:s18], $0xA000  }
0x1a: {  	[sflag:s18] =	ssyncset.done @!p0 $0x0  }
0x1b: {  	[sflag:s18] =	ssyncadd.s32 @!p0 $0xFFFF6000  }
0x1c: {  	s30 =	simm.s32 $0x0;
	[bflag:$0x0] =	sbarrier.arrive $0xFFFF  }
0x1d: {  	[tilespmem:s13], [sflag:$0x1] =	stream.indirect.gather [hbm4b:s3+s12], $0x20, s30, s12, $0xb8;
	[tilespmem:$0xAF00] =	vst v63  }
0x1e: {  	_ =	swait.ge [sflag:s14], $0x1000  }
0x1f: {  	[sflag:s14] =	ssyncset.done $0x0  }
0x20: {  	s31 =	simm.s32 $0x2780;
	[sflag:s14] =	ssyncadd.s32 $0xFFFFF000  }
0x21: {  	[spmem:s1] =	stream.indirect.scatter.add.f32 [tilespmem:s13], [sflag:$0x2], $0x20, s31, s12, $0xb8;
	[tilespmem:$0xAF00] =	vst v63  }
0x22: {  	_ =	swait.ge [sflag:s9], $0x1000  }
0x23: {  	s19 =	simm.s32 $0x400;
	s18 =	simm.s32 $0x200;
	[sflag:s9] =	ssyncset.done $0x0  }
.LBB2_2:
0x24: {  	s20 =	sshra.s32 s18, $0x2  }
0x25: {  	[sflag:s9] =	ssyncadd.s32 $0xFFFFF000;
	s18 =	smov.u32 s19;
	s21 =	sadd.s32 $0x200, s19  }
0x26: {  	[tilespmem:s13], [sflag:$0x1] =	stream.indirect.gather [hbm4b:s3+s12], $0x20, s20, s12, $0xb8;
	[tilespmem:$0xAF00] =	vst v63  }
0x27: {  	p1 =	sne.s32 s19, $0x9C00;
	_ =	swait.ge [sflag:s14], $0x1000  }
.Ltmp0:
0x28: {  	[sflag:s14] =	ssyncset.done $0x0;
	(pc) =	sbr.rel @p1 .LBB2_2-.Ltmp0, $4  }
0x29: {  	s19 =	sadd.s32 $0x2780, s20;
	[sflag:s14] =	ssyncadd.s32 $0xFFFFF000  }
0x2a: {  	[spmem:s1] =	stream.indirect.scatter.add.f32 [tilespmem:s13], [sflag:$0x2], $0x20, s19, s12, $0xb8;
	[tilespmem:$0xAF00] =	vst v63  }
0x2b: {  	_ =	swait.ge [sflag:s9], $0x1000  }
0x2c: {  	s19 =	smov.u32 s21;
	[sflag:s9] =	ssyncset.done $0x0  }
0x2d: {  	s18 =	sshra.s32 s18, $0x2;
	[sflag:s9] =	ssyncadd.s32 $0xFFFFF000  }
0x2e: {  	[tilespmem:s13], [sflag:$0x1] =	stream.indirect.gather [hbm4b:s3+s12], $0x20, s18, s12, $0xb8;
	[tilespmem:$0xAF00] =	vst v63  }
0x2f: {  	_ =	swait.ge [sflag:s14], $0x1000  }
0x30: {  	[sflag:s14] =	ssyncset.done $0x0  }
0x31: {  	s18 =	sadd.s32 $0x2780, s18;
	[sflag:s14] =	ssyncadd.s32 $0xFFFFF000  }
0x32: {  	[spmem:s1] =	stream.indirect.scatter.add.f32 [tilespmem:s13], [sflag:$0x2], $0x20, s18, s12, $0xb8;
	[tilespmem:$0xAF00] =	vst v63  }
0x33: {  	_ =	swait.ge [sflag:s9], $0x1000  }
0x34: {  	s17 =	sadd.s32 $0x1, s17;
	[sflag:s9] =	ssyncset.done $0x0  }
0x35: {  	p1 =	sne.s32 s17, s8;
	[sflag:s9] =	ssyncadd.s32 $0xFFFFF000  }
.Ltmp1:
0x36: {  	[bflag:$0x0] =	sbarrier.arrive $0xFFFF;
	(pc) =	sbr.rel @p1 .LBB2_1-.Ltmp1, $4  }
0x37: {  	[hbm:s7], [sflag:s15] =	dma.local [spmem:s16], $0xA00  }
0x38: {  	_ =	swait.ge [sflag:s9], $0xA00  }
0x39: {  	[sflag:s9] =	ssyncset.done $0x0  }
0x3a: {  	[sflag:s9] =	ssyncadd.s32 $0xFFFFF600  }
0x3b: {  	_ =	sfence.sel $0x180000  }
0x3c: {  	[bflag:$0x0] =	sbarrier.arrive $0xFFFF  }
0x3d: {  	_ =	strace $0x9000004D  }
0x3e: {  	s0 =	sadd.s32 @!p0 $0x100000, s0;
	[bflag:$0x2] =	sbarrier.arrive $0xFFFF  }
0x3f: {  	[sflag:s0] =	ssyncadd.tile.s32 @!p0 $0x1;
	_ =	shalt  }
.Lfunc_end2:
_tile_overlayer_lowered:
.L_overlay_start_2:
0x40: {  	(tag) =	ssettag $0x2  }
0x41: {  	s0 =	rddreg [dreg:$0x0];
	s2 =	stileid.u32  }
0x42: {  	s1 =	rddreg [dreg:$0x1];
	p0 =	sne.s32 s2, $0x0  }
0x43: {  	s3 =	rddreg [dreg:$0x2];
	[bflag:$0x3] =	sbarrier.arrive $0xFFFF;
	s2 =	simm.s32 @!p0 $0x1C02  }
0x44: {  	[timem:s3], [sflag:s2] =	dma.local @!p0 [hbm:s0], s1  }
0x45: {  	s0 =	simm.s32 @!p0 $0x2  }
0x46: {  	_ =	swait.ge @!p0 [sflag:s0], s1  }
0x47: {  	s1 =	ssub.s32 @!p0 $0x0, s1;
	[sflag:s0] =	ssyncset.done @!p0 $0x0  }
0x48: {  	[sflag:s0] =	ssyncadd.s32 @!p0 s1  }
0x49: {  	[bflag:$0x3] =	sbarrier.arrive $0xFFFF  }
0x4a: {  	_ =	shalt  }

// kernel: kernel.8.cloned.1.call-start
scs
__scs_entry_jumppad:
0x0: {  	(pc) =	sbr.rel $0x88, $3  }
0x1: {  	(tag) =	ssettag $0x0;
	lr =	simm.s32 $0x1  }
0x2: {  	[smem:$0x3F98] =	sst lr;
	_ =	strace $0xD0000000  }
0x3: {  	_ = 	snop  }
0x4: {  	_ = 	snop  }
0x5: {  	_ = 	snop  }
0x6: {  	_ = 	snop  }
0x7: {  	_ = 	snop  }
__scs_overlays_trampoline_lowered:
0x8: {  	[smem:$0x3FA7] =	sst s0  }
0x9: {  	[smem:$0x3FA8] =	sst s1  }
0xa: {  	[smem:$0x3FA9] =	sst s2  }
0xb: {  	[smem:$0x3FAA] =	sst s3  }
0xc: {  	[smem:$0x3FAB] =	sst s4  }
0xd: {  	[smem:$0x3FAC] =	sst s5  }
0xe: {  	[smem:$0x3FAD] =	sst s6  }
0xf: {  	[smem:$0x3FAE] =	sst s7  }
0x10: {  	[smem:$0x3FAF] =	sst s8  }
0x11: {  	[smem:$0x3FB0] =	sst s9;
	s0 =	simm.s32 @!p0 $0x0  }
0x12: {  	s1 =	sld [smem:$0x3F96];
	s0 =	simm.s32 @p0 $0x1  }
0x13: {  	[smem:$0x3FB1] =	sst s0;
	s0 =	simm.s32 @!p1 $0x0  }
0x14: {  	s2 =	sld [smem:$0x3F95];
	s0 =	simm.s32 @p1 $0x1  }
0x15: {  	[smem:$0x3FB2] =	sst s0;
	s0 =	simm.s32 @!p2 $0x0  }
0x16: {  	s3 =	sld [smem:$0x3FDB];
	s0 =	simm.s32 @p2 $0x1  }
0x17: {  	s4 =	simm.s32 $0x1BF5;
	[smem:$0x3FB4] =	sst s0  }
0x18: {  	s0 =	sld [smem:$0x3F97];
	_ =	swait.ge [sflag:s4], $0x0  }
0x19: {  	s7 =	sld [smem:$0x3F98]  }
0x1a: {  	s8 =	sadd.s32 $0xFFFFE003, lr  }
0x1b: {  	s9 =	sadd.s32 $0xFFFFFEF7, lr;
	s5 =	simm.s32 $0xFFFFFFFF;
	p2 =	slt.u32 s8, $0xFFFFF086  }
0x1c: {  	p1 =	slt.u32 s9, $0xF7A;
	s5 =	simm.s32 @!p2 $0x0  }
0x1d: {  	s5 =	simm.s32 @p1 $0x1;
	p0 =	seq.s32 s7, s2  }
0x1e: {  	s7 =	smul.u32 @!p0 $0xF7A, s2;
	p2 =	seq.s32 @!p0 s5, $0x0  }
0x1f: {  	s9 =	smul.u32 $0xF7A, s1;
	s8 =	simm.s32 @!p0 $0x1BF5;
	p2 =	por !p2, p0  }
0x20: {  	[sflag:s8] =	ssyncset.s32 @!p0 $0xFFFFF086;
	s6 =	sadd.s32 @!p0 s3, s7;
	s7 =	simm.s32 @!p0 $0x108  }
0x21: {  	s3 =	sadd.s32 s3, s9;
	s6 =	sadd.s32 @!p0 $0x88, s6;
	s7 =	simm.s32 @p2 $0x1082  }
0x22: {  	[simem:s7], [sflag:s8] =	dma.local @!p0 [hbm:s6], $0xF7A  }
0x23: {  	s9 =	sor.u32 $0xD0000000, s2;
	s6 =	simm.s32 $0x108;
	_ =	swait.ge @!p0 [sflag:s8], $0x0  }
0x24: {  	s3 =	sadd.s32 $0x88, s3;
	s6 =	simm.s32 @!p1 $0x1082;
	[sflag:s4] =	ssyncset.s32 $0xFFFFF086  }
0x25: {  	[simem:s6], [sflag:s4] =	dma.local [hbm:s3], $0xF7A  }
0x26: {  	[smem:$0x3F98] =	sst s1;
	(tag) =	ssettag s2;
	_ =	strace s9  }
0x27: {  	s1 =	sld [smem:$0x3FA8]  }
0x28: {  	s2 =	sld [smem:$0x3FA9]  }
0x29: {  	s4 =	sld [smem:$0x3FAB]  }
0x2a: {  	p0 =	seq.s32 s5, $0x0;
	s5 =	sld [smem:$0x3FAC]  }
0x2b: {  	s6 =	sld [smem:$0x3FAD]  }
0x2c: {  	s7 =	sld [smem:$0x3FAE]  }
0x2d: {  	s3 =	simm.s32 $0x108;
	s8 =	sld [smem:$0x3FAF]  }
0x2e: {  	s3 =	simm.s32 @!p0 $0x1082;
	s9 =	sld [smem:$0x3FB0]  }
0x2f: {  	lr =	sadd.s32 s0, s3;
	s0 =	sld [smem:$0x3FA7]  }
0x30: {  	s3 =	sld [smem:$0x3FAA]  }
0x31: {  	[smem:$0x3FB3] =	sst s10  }
0x32: {  	s10 =	sld [smem:$0x3FB1];
	_ =	sdelay $0x3  }
0x33: {  	p0 =	seq.s32 s10, $0x1;
	s10 =	sld [smem:$0x3FB3];
	_ =	sdelay $0x3  }
0x34: {  	[smem:$0x3FB3] =	sst s10  }
0x35: {  	s10 =	sld [smem:$0x3FB2];
	_ =	sdelay $0x3  }
0x36: {  	p1 =	seq.s32 s10, $0x1;
	s10 =	sld [smem:$0x3FB3];
	_ =	sdelay $0x3  }
0x37: {  	[smem:$0x3FB3] =	sst s10  }
0x38: {  	s10 =	sld [smem:$0x3FB4]  }
0x39: {  	_ = 	snop;
	(pc) =	sbr.ind lr, $3  }
0x3a: {  	_ = 	snop  }
0x3b: {  	_ = 	snop  }
0x3c: {  	p2 =	seq.s32 s10, $0x1;
	s10 =	sld [smem:$0x3FB3]  }
0x3d: {  	_ =	shalt  }
0x3e: {  	_ =	shalt  }
0x3f: {  	_ =	shalt  }
0x40: {  	_ =	shalt  }
0x41: {  	_ =	shalt  }
0x42: {  	_ =	shalt  }
0x43: {  	_ =	shalt  }
0x44: {  	_ =	shalt  }
0x45: {  	_ =	shalt  }
0x46: {  	_ =	shalt  }
0x47: {  	_ =	shalt  }
0x48: {  	_ =	shalt  }
0x49: {  	_ =	shalt  }
0x4a: {  	_ =	shalt  }
0x4b: {  	_ =	shalt  }
0x4c: {  	_ =	shalt  }
0x4d: {  	_ =	shalt  }
0x4e: {  	_ =	shalt  }
0x4f: {  	_ =	shalt  }
0x50: {  	_ =	shalt  }
0x51: {  	_ =	shalt  }
0x52: {  	_ =	shalt  }
0x53: {  	_ =	shalt  }
0x54: {  	_ =	shalt  }
0x55: {  	_ =	shalt  }
0x56: {  	_ =	shalt  }
0x57: {  	_ =	shalt  }
0x58: {  	_ =	shalt  }
0x59: {  	_ =	shalt  }
0x5a: {  	_ =	shalt  }
0x5b: {  	_ =	shalt  }
0x5c: {  	_ =	shalt  }
0x5d: {  	_ =	shalt  }
0x5e: {  	_ =	shalt  }
0x5f: {  	_ =	shalt  }
0x60: {  	_ =	shalt  }
0x61: {  	_ =	shalt  }
0x62: {  	_ =	shalt  }
0x63: {  	_ =	shalt  }
0x64: {  	_ =	shalt  }
0x65: {  	_ =	shalt  }
0x66: {  	_ =	shalt  }
0x67: {  	_ =	shalt  }
0x68: {  	_ =	shalt  }
0x69: {  	_ =	shalt  }
0x6a: {  	_ =	shalt  }
0x6b: {  	_ =	shalt  }
0x6c: {  	_ =	shalt  }
0x6d: {  	_ =	shalt  }
0x6e: {  	_ =	shalt  }
0x6f: {  	_ =	shalt  }
0x70: {  	_ =	shalt  }
0x71: {  	_ =	shalt  }
0x72: {  	_ =	shalt  }
0x73: {  	_ =	shalt  }
0x74: {  	_ =	shalt  }
0x75: {  	_ =	shalt  }
0x76: {  	_ =	shalt  }
0x77: {  	_ =	shalt  }
0x78: {  	_ =	shalt  }
0x79: {  	_ =	shalt  }
0x7a: {  	_ =	shalt  }
0x7b: {  	_ =	shalt  }
0x7c: {  	_ =	shalt  }
0x7d: {  	_ =	shalt  }
0x7e: {  	_ =	shalt  }
0x7f: {  	_ =	shalt  }
0x80: {  	_ =	shalt  }
0x81: {  	_ =	shalt  }
0x82: {  	_ =	shalt  }
0x83: {  	_ =	shalt  }
0x84: {  	_ =	shalt  }
0x85: {  	_ =	shalt  }
0x86: {  	_ =	shalt  }
0x87: {  	_ =	shalt  }
.Lfunc_end0:
.L_simem_size_0:
called_computation_lowered:
.L_overlay_start_0:
0x88: {  	s2 =	sld [smem:$0x3FD9]  }
0x89: {  	s3 =	sld [smem:$0x3FFE];
	_ =	sdelay $0x1  }
0x8a: {  	s1 =	srdreg.scid  }
0x8b: {  	s0 =	sand.u32 $0x1, s1  }
0x8c: {  	s17 =	sshll.u32 s0, $0xA;
	s2 =	sadd.s32 s3, s2  }
0x8d: {  	s2 =	sadd.s32 s2, s17  }
0x8e: {  	[smem:$0x3FBF] =	sst s2  }
0x8f: {  	_ = 	snop  }
0x90: {  	s2 =	sld [smem:$0x3FD0];
	(tm) =	ssettm $0x1  }
0x91: {  	s18 =	sld [smem:$0x3FFB];
	_ =	sdelay $0x3  }
0x92: {  	_ =	strace s18  }
0x93: {  	s3 =	sld [smem:$0x3FFC];
	_ =	sdelay $0x3  }
0x94: {  	_ =	strace s3  }
0x95: {  	s3 =	sld [smem:$0x3FFD];
	_ =	sdelay $0x3  }
0x96: {  	_ =	strace s3  }
0x97: {  	_ =	strace $0x8FFFFFFF  }
0x98: {  	s19 =	sld [smem:$0x3FDB];
	_ =	sdelay $0x1  }
0x99: {  	s4 =	simm.s32 $_scs_section_size  }
0x9a: {  	s5 =	simm.s32 $_size__tile_overlayer_lowered;
	s6 =	simm.s32 $_tile_overlayer_lowered  }
0x9b: {  	s22 =	simm.s32 $0x1BFF;
	s21 =	sshll.u32 s6, $0x1;
	s3 =	sadd.s32 s4, s19  }
0x9c: {  	s7 =	simm.s32 $0x0;
	s20 =	sshll.u32 s5, $0x1;
	s5 =	sadd.s32 s21, s3  }
0x9d: {  	[timem:s7], [sflag:s22] =	dma.local [hbm:s5], s20  }
0x9e: {  	_ =	swait.ge [sflag:s22], s20  }
0x9f: {  	s4 =	ssub.s32 $0x0, s20;
	[sflag:s22] =	ssyncset.done $0x0  }
0xa0: {  	[sflag:s22] =	ssyncadd.s32 s4;
	_ =	sdelay $0x1  }
0xa1: {  	s23 =	simm.s32 $0x1B8B  }
0xa2: {  	_ =	swait.ge [sflag:s23], $0x1  }
0xa3: {  	[sflag:s23] =	ssyncset.done $0x0  }
0xa4: {  	s25 =	simm.s32 $0x1B8E;
	s24 =	sld [smem:$0x3FFE];
	[sflag:s23] =	ssyncadd.s32 $0xFFFFFFFF  }
0xa5: {  	s26 =	simm.s32 $execute0_lowered;
	[smem:$0x3FD2] =	sst s25  }
0xa6: {  	s5 =	sshll.u32 s26, $0x1;
	_ =	strace $0x80000046;
	[dreg:$0x1] =	wrdreg $0xFFFFFFFF  }
0xa7: {  	s28 =	simm.s32 $_size_execute0_lowered;
	s3 =	sadd.s32 s3, s5;
	[dreg:$0x0] =	wrdreg $0x0  }
0xa8: {  	s5 =	sshll.u32 s28, $0x1;
	[dreg:$0x2] =	wrdreg s3  }
0xa9: {  	[dreg:$0x3] =	wrdreg s5  }
0xaa: {  	[dreg:$0x4] =	wrdreg $0xC0  }
0xab: {  	_ =	task [dreg:s7], $0x5FFFF  }
0xac: {  	[dreg:$0x1] =	wrdreg $0xFFFFFFFF  }
0xad: {  	[dreg:$0x0] =	wrdreg $0x60  }
0xae: {  	[dreg:$0x2] =	wrdreg s24  }
0xaf: {  	[dreg:$0x3] =	wrdreg s2  }
0xb0: {  	[dreg:$0x4] =	wrdreg $0x28800  }
0xb1: {  	[dreg:$0x5] =	wrdreg $0x9  }
0xb2: {  	_ =	task.clear_ibuf [dreg:s7], $0x6FFFF;
	_ =	strace $0x90000046  }
0xb3: {  	s29 =	simm.s32 $0x9;
	_ =	strace $0x80000048  }
0xb4: {  	_ =	swait.ge [sflag:s29], $0x1  }
0xb5: {  	[sflag:s29] =	ssyncadd.s32 $0xFFFFFFFF  }
0xb6: {  	_ =	strace $0x90000048  }
0xb7: {  	_ =	sfence  }
0xb8: {  	s30 =	sld [smem:$0x0];
	_ =	sdelay $0x2  }
0xb9: {  	s31 =	sshll.u32 s1, $0xD;
	s1 =	sshrl.u32 s1, $0x2  }
0xba: {  	s3 =	sand.u32 $0x4000, s31;
	s1 =	sadd.s32 s1, s30  }
0xbb: {  	s0 =	sor.u32 s3, s0;
	s1 =	sshll.u32 s1, $0x11  }
0xbc: {  	s0 =	sor.u32 s1, s0  }
0xbd: {  	s0 =	sadd.s32 $0x8F2B, s0  }
0xbe: {  	[sflag:s0] =	ssyncadd.remote.s32 $0x1  }
0xbf: {  	_ =	sfence.sel $0xFFFF  }
0xc0: {  	[dreg:$0x0] =	wrdreg $0xFFFFFFFF;
	(pc) =	sbr.abs _section_cstart, $3  }
0xc1: {  	[dreg:$0x1] =	wrdreg $0xFFFFFFFF  }
0xc2: {  	_ =	task.clear_ibuf [dreg:s7], $0x2FFFF;
	_ =	strace $0x9FFFFFFF  }
0xc3: {  	(tm) =	ssettm $0x7FFFFFFF  }
tec
execute0_lowered:
.L_overlay_start_1:
0x0: {  	(tag) =	ssettag $0x1  }
0x1: {  	s0 =	srdreg.scid;
	s5 =	rddreg [dreg:$0x0]  }
0x2: {  	s1 =	rddreg [dreg:$0x1];
	s11 =	stileid.u32  }
0x3: {  	s2 =	rddreg [dreg:$0x2];
	s3 =	simm.s32 $0x0;
	s14 =	simm.s32 $0x20  }
0x4: {  	s15 =	simm.s32 $0x10;
	s16 =	simm.s32 $0x0;
	s7 =	smul.u32 $0x500, s11  }
0x5: {  	s4 =	sand.u32 $0x1, s0;
	[smem:$0x7FF] =	sst s3;
	s9 =	smul.u32 $0xA00, s11  }
0x6: {  	p0 =	sne.s32 s11, $0x0;
	s12 =	sshll.u32 s11, $0x6;
	s0 =	sshll.u32 s4, $0x4  }
0x7: {  	s8 =	sshll.u32 s4, $0x7;
	s31 =	ssub.s32 $0x2, s4;
	s4 =	sadd.s32 $0x1FC00, s5  }
0x8: {  	s12 =	sor.u32 $0x1C01, s12;
	s6 =	sor.u32 s11, s0;
	s0 =	rddreg [dreg:$0x3]  }
0x9: {  	_ =	strace $0x80000047;
	s7 =	sor.u32 s8, s7;
	s10 =	sshrl.u32 s31, $0x1  }
0xa: {  	s9 =	sshrl.u32 s9, $0x2;
	s11 =	simm.s32 $0x80;
	s6 =	smul.u32 $0x500, s6  }
0xb: {  	s7 =	sshrl.u32 s7, $0x3;
	s8 =	ssub.s32 s31, s10;
	s13 =	sadd.s32 s9, s2  }
0xc: {  	s9 =	simm.s32 $0x2800;
	s10 =	sshrl.u32 @!p0 s2, $0x3;
	s6 =	sadd.s32 s6, s5  }
0xd: {  	s7 =	sadd.s32 s7, s5;
	s13 =	sshrl.u32 s13, $0x3;
	s5 =	sadd.s32 $0x15C00, s6  }
0xe: {  	s6 =	sadd.s32 $0x20200, s7;
	s7 =	smax.u32 s8, $0x1;
	s8 =	simm.s32 $0x1  }
.LBB2_1:
0xf: {  	[tilespmem:s3], [sflag:$0x1] =	stream.linear.gather [hbm4b:s5+s3], $0x2780, $0x38;
	[tilespmem:$0x2B00] =	vst v63  }
0x10: {  	_ =	swait.ge [sflag:s8], $0x2780  }
0x11: {  	[sflag:s8] =	ssyncset.done $0x0  }
0x12: {  	[sflag:s8] =	ssyncadd.s32 $0xFFFFD880  }
0x13: {  	[tilespmem:s9], [sflag:$0x1] =	stream.linear.gather [hbm4b:s1+s3], $0x80, $0x38;
	[tilespmem:$0x2B00] =	vst v63  }
0x14: {  	_ =	swait.ge [sflag:s8], $0x80  }
0x15: {  	[sflag:s8] =	ssyncset.done $0x0  }
0x16: {  	s17 =	simm.s32 @!p0 $0x1C01;
	[sflag:s8] =	ssyncadd.s32 $0xFFFFFF80  }
0x17: {  	[spmem:s10], [sflag:s17] =	dma.local @!p0 [hbm:s4], $0x500  }
0x18: {  	s17 =	simm.s32 @!p0 $0x1  }
0x19: {  	_ =	swait.ge @!p0 [sflag:s17], $0x500  }
0x1a: {  	[sflag:s17] =	ssyncset.done @!p0 $0x0  }
0x1b: {  	[sflag:s17] =	ssyncadd.s32 @!p0 $0xFFFFFB00  }
0x1c: {  	s31 =	simm.s32 $0x0;
	[bflag:$0x0] =	sbarrier.arrive $0xFFFF  }
0x1d: {  	[spmem:s2] =	stream.indirect.scatter.add.f32 [tilespmem:s9], [sflag:$0x1], $0x1, s31, s11, $0xb8;
	[tilespmem:$0x2B00] =	vst v63  }
0x1e: {  	_ =	swait.ge [sflag:s8], $0x80  }
0x1f: {  	s17 =	simm.s32 $0x200;
	[sflag:s8] =	ssyncset.done $0x0  }
.LBB2_2:
0x20: {  	s18 =	sshra.s32 s17, $0x2;
	[sflag:s8] =	ssyncadd.s32 $0xFFFFFF80;
	p1 =	sne.s32 s17, $0x9C00  }
0x21: {  	[spmem:s2] =	stream.indirect.scatter.add.f32 [tilespmem:s9], [sflag:$0x1], $0x1, s18, s11, $0xb8;
	[tilespmem:$0x2B00] =	vst v63  }
.Ltmp0:
0x22: {  	_ = 	snop;
	(pc) =	sbr.rel @p1 .LBB2_2-.Ltmp0, $4  }
0x23: {  	_ = 	snop  }
0x24: {  	s17 =	sadd.s32 $0x200, s17  }
0x25: {  	_ =	swait.ge [sflag:s8], $0x80  }
0x26: {  	[sflag:s8] =	ssyncset.done $0x0  }
0x27: {  	s16 =	sadd.s32 $0x1, s16  }
0x28: {  	[sflag:s8] =	ssyncadd.s32 $0xFFFFFF80;
	p1 =	sne.s32 s16, s7  }
.Ltmp1:
0x29: {  	[bflag:$0x0] =	sbarrier.arrive $0xFFFF;
	(pc) =	sbr.rel @p1 .LBB2_1-.Ltmp1, $4  }
0x2a: {  	[hbm:s6@s14], [sflag:s12] =	dma.strided [spmem:s13@s15], $0x50, s8, $0x10   }
0x2b: {  	_ =	swait.ge [sflag:s8], $0x50  }
0x2c: {  	[sflag:s8] =	ssyncset.done $0x0  }
0x2d: {  	[sflag:s8] =	ssyncadd.s32 $0xFFFFFFB0  }
0x2e: {  	_ =	sfence.sel $0x180000  }
0x2f: {  	[bflag:$0x0] =	sbarrier.arrive $0xFFFF  }
0x30: {  	_ =	strace $0x90000047  }
0x31: {  	s0 =	sadd.s32 @!p0 $0x100000, s0;
	[bflag:$0x2] =	sbarrier.arrive $0xFFFF  }
0x32: {  	[sflag:s0] =	ssyncadd.tile.s32 @!p0 $0x1;
	_ =	shalt  }
.Lfunc_end2:
_tile_overlayer_lowered:
.L_overlay_start_2:
0x33: {  	(tag) =	ssettag $0x2  }
0x34: {  	s0 =	rddreg [dreg:$0x0];
	s2 =	stileid.u32  }
0x35: {  	s1 =	rddreg [dreg:$0x1];
	p0 =	sne.s32 s2, $0x0  }
0x36: {  	s3 =	rddreg [dreg:$0x2];
	[bflag:$0x3] =	sbarrier.arrive $0xFFFF;
	s2 =	simm.s32 @!p0 $0x1C01  }
0x37: {  	[timem:s3], [sflag:s2] =	dma.local @!p0 [hbm:s0], s1  }
0x38: {  	s0 =	simm.s32 @!p0 $0x1  }
0x39: {  	_ =	swait.ge @!p0 [sflag:s0], s1  }
0x3a: {  	s1 =	ssub.s32 @!p0 $0x0, s1;
	[sflag:s0] =	ssyncset.done @!p0 $0x0  }
0x3b: {  	[sflag:s0] =	ssyncadd.s32 @!p0 s1  }
0x3c: {  	[bflag:$0x3] =	sbarrier.arrive $0xFFFF  }
0x3d: {  	_ =	shalt  }

</sc_bundles>
